<compile_context>
chip_gen: v7x
topology: tpu7x:2x2x1
jax: 0.10.2.dev20260603
libtpu: 0.0.44.dev20260713+nightly
codegen_flags: <defaults>
</compile_context>

<pallas_src>
import functools

import jax
import jax.numpy as jnp
from jax import lax
from jax.experimental import pallas as pl
from jax.experimental.pallas import tpu as pltpu
from jax.experimental.pallas import tpu_sc as plsc

N_CORES = 2
N_SUBCORES = 16
N_WORKERS = N_CORES * N_SUBCORES



def _make_deg_kernel(E, NP):
    EPW = E // N_WORKERS
    CH = 80
    assert EPW % CH == 0
    NCH = EPW // CH
    RPT = NP // N_SUBCORES

    mesh = plsc.VectorSubcoreMesh(core_axis_name="c", subcore_axis_name="s")

    @functools.partial(
        pl.kernel,
        out_type=jax.ShapeDtypeStruct((N_CORES, NP, 16), jnp.float32),
        mesh=mesh,
        scratch_types=[
            pltpu.VMEM_SHARED((NP, 16), jnp.float32),
            pltpu.VMEM((CH, 16), jnp.float32),
            pltpu.VMEM((CH,), jnp.int32),
        ],
    )
    def deg_kernel(dst_hbm, zeros_hbm, ones_hbm, out_hbm, acc_sh, ones_v, idx_v):
        c = lax.axis_index("c")
        s = lax.axis_index("s")
        wid = s * N_CORES + c
        pltpu.sync_copy(ones_hbm, ones_v)
        pltpu.sync_copy(zeros_hbm, acc_sh.at[pl.ds(s * RPT, RPT)])
        plsc.subcore_barrier()
        base = wid * EPW

        def body(k, carry):
            pltpu.sync_copy(dst_hbm.at[pl.ds(base + k * CH, CH)], idx_v)
            pltpu.sync_copy(ones_v, acc_sh.at[idx_v], add=True)
            return carry

        lax.fori_loop(0, NCH, body, 0)
        plsc.subcore_barrier()
        pltpu.sync_copy(acc_sh.at[pl.ds(s * RPT, RPT)],
                        out_hbm.at[c, pl.ds(s * RPT, RPT)])

    return deg_kernel


def _make_agg_kernel(E, NP, H):
    EPW = E // N_WORKERS
    CH = 128
    NCH = EPW // CH
    REM = EPW - NCH * CH
    assert REM % 8 == 0
    RPT = NP // N_SUBCORES
    ZCH = 128
    assert RPT % ZCH == 0

    mesh = plsc.VectorSubcoreMesh(core_axis_name="c", subcore_axis_name="s")

    scratch = [
        pltpu.VMEM_SHARED((NP, H), jnp.float32),
        pltpu.VMEM((CH, H), jnp.float32),
        pltpu.VMEM((CH,), jnp.int32),
        pltpu.VMEM((CH,), jnp.int32),
        pltpu.SemaphoreType.DMA,
    ]
    if REM:
        scratch += [
            pltpu.VMEM((REM, H), jnp.float32),
            pltpu.VMEM((REM,), jnp.int32),
            pltpu.VMEM((REM,), jnp.int32),
        ]

    @functools.partial(
        pl.kernel,
        out_type=jax.ShapeDtypeStruct((N_CORES, NP, H), jnp.float32),
        mesh=mesh,
        scratch_types=scratch,
    )
    def agg_kernel(y_hbm, src_hbm, dst_hbm, zeros_hbm, out_hbm,
                   acc_sh, rows_v, sidx_v, didx_v, sem, *rem_scratch):
        c = lax.axis_index("c")
        s = lax.axis_index("s")
        wid = s * N_CORES + c
        for z in range(RPT // ZCH):
            pltpu.sync_copy(zeros_hbm,
                            acc_sh.at[pl.ds(s * RPT + z * ZCH, ZCH)])
        plsc.subcore_barrier()
        base = wid * EPW

        def body(k, carry):
            off = base + k * CH
            pltpu.sync_copy(src_hbm.at[pl.ds(off, CH)], sidx_v)
            pltpu.sync_copy(dst_hbm.at[pl.ds(off, CH)], didx_v)
            pltpu.async_copy(y_hbm.at[sidx_v], rows_v, sem).wait()
            pltpu.sync_copy(rows_v, acc_sh.at[didx_v], add=True)
            return carry

        lax.fori_loop(0, NCH, body, 0)
        if REM:
            rows_r, sidx_r, didx_r = rem_scratch
            off = base + NCH * CH
            pltpu.sync_copy(src_hbm.at[pl.ds(off, REM)], sidx_r)
            pltpu.sync_copy(dst_hbm.at[pl.ds(off, REM)], didx_r)
            pltpu.async_copy(y_hbm.at[sidx_r], rows_r, sem).wait()
            pltpu.sync_copy(rows_r, acc_sh.at[didx_r], add=True)
        plsc.subcore_barrier()
        pltpu.sync_copy(acc_sh.at[pl.ds(s * RPT, RPT)],
                        out_hbm.at[c, pl.ds(s * RPT, RPT)])

    return agg_kernel



def _tc1_body(deg_ref, x_ref, w_ref, y_ref, dis_ref):
    d0 = deg_ref[0, :, 0:1]
    d1 = deg_ref[1, :, 0:1]
    dis = lax.rsqrt(d0 + d1 + 1.0)
    y_ref[...] = jnp.dot(x_ref[...], w_ref[...],
                         preferred_element_type=jnp.float32) * dis
    dis_ref[...] = jnp.broadcast_to(dis, dis_ref.shape)


def _tc2_body(agg_ref, y_ref, dis_ref, b_ref, w_ref, o_ref):
    h = (agg_ref[0] + agg_ref[1] + y_ref[...]) * dis_ref[...] + b_ref[...]
    h = jnp.maximum(h, 0.0)
    o_ref[...] = jnp.dot(h, w_ref[...],
                         preferred_element_type=jnp.float32) * dis_ref[...]


def _tc3_body(agg_ref, y_ref, dis_ref, b_ref, o_ref):
    h = (agg_ref[0] + agg_ref[1] + y_ref[...]) * dis_ref[...] + b_ref[...]
    o_ref[...] = jnp.maximum(h, 0.0)



def kernel(inputs, edge_index, W1, b1, W2, b2):
    N, F = inputs.shape
    H = W1.shape[1]
    E = edge_index.shape[1]
    assert E % N_WORKERS == 0 and (E // N_WORKERS) % 8 == 0

    B = 640
    NP = -(-N // (N_SUBCORES * B)) * (N_SUBCORES * B)
    G = NP // B

    src = edge_index[0]
    dst = edge_index[1]
    x = jnp.pad(inputs, ((0, NP - N), (0, 0)))

    zeros_deg = jnp.zeros((NP // N_SUBCORES, 16), jnp.float32)
    ones_deg = jnp.ones((80, 16), jnp.float32)
    zeros_seg = jnp.zeros((128, H), jnp.float32)

    degp = _make_deg_kernel(E, NP)(dst, zeros_deg, ones_deg)

    tc1 = pl.pallas_call(
        _tc1_body,
        grid=(G,),
        in_specs=[
            pl.BlockSpec((2, B, 16), lambda i: (0, i, 0)),
            pl.BlockSpec((B, F), lambda i: (i, 0)),
            pl.BlockSpec((F, H), lambda i: (0, 0)),
        ],
        out_specs=[
            pl.BlockSpec((B, H), lambda i: (i, 0)),
            pl.BlockSpec((B, H), lambda i: (i, 0)),
        ],
        out_shape=[
            jax.ShapeDtypeStruct((NP, H), jnp.float32),
            jax.ShapeDtypeStruct((NP, H), jnp.float32),
        ],
    )
    y1, dis = tc1(degp, x, W1)

    agg_fn = _make_agg_kernel(E, NP, H)
    agg1 = agg_fn(y1, src, dst, zeros_seg)

    tc2 = pl.pallas_call(
        _tc2_body,
        grid=(G,),
        in_specs=[
            pl.BlockSpec((2, B, H), lambda i: (0, i, 0)),
            pl.BlockSpec((B, H), lambda i: (i, 0)),
            pl.BlockSpec((B, H), lambda i: (i, 0)),
            pl.BlockSpec((1, H), lambda i: (0, 0)),
            pl.BlockSpec((H, H), lambda i: (0, 0)),
        ],
        out_specs=pl.BlockSpec((B, H), lambda i: (i, 0)),
        out_shape=jax.ShapeDtypeStruct((NP, H), jnp.float32),
    )
    y2 = tc2(agg1, y1, dis, b1.reshape(1, H), W2)

    agg2 = agg_fn(y2, src, dst, zeros_seg)

    tc3 = pl.pallas_call(
        _tc3_body,
        grid=(G,),
        in_specs=[
            pl.BlockSpec((2, B, H), lambda i: (0, i, 0)),
            pl.BlockSpec((B, H), lambda i: (i, 0)),
            pl.BlockSpec((B, H), lambda i: (i, 0)),
            pl.BlockSpec((1, H), lambda i: (0, 0)),
        ],
        out_specs=pl.BlockSpec((B, H), lambda i: (i, 0)),
        out_shape=jax.ShapeDtypeStruct((NP, H), jnp.float32),
    )
    out = tc3(agg2, y2, dis, b2.reshape(1, H))
    return out[:N]

# --- scband reference (transcript-rebuilt; emitter-appended) ---
"""Pipeline reference for scband-gcn-13365938226013 (READ-ONLY COPY).

The authoritative reference and input builder live on the scoring server;
editing this copy changes nothing except your own understanding.
"""

import jax, jax.numpy as jnp
import numpy as np

N = 10000
E = 320000
F_IN = 128
H = 128

def setup_inputs(seed: int = 0) -> dict:
    key = jax.random.key(seed)
    k1, k2, k3, k4, k5, k6 = jax.random.split(key, 6)
    inputs = jax.random.normal(k1, (N, F_IN), dtype=jnp.float32)
    edge_index = jax.random.randint(k2, (2, E), 0, N, dtype=jnp.int32)
    # GCNConv params (glorot-style scaling)
    W1 = jax.random.normal(k3, (F_IN, H), dtype=jnp.float32) * (1.0 / np.sqrt(F_IN))
    b1 = jnp.zeros((H,), dtype=jnp.float32)
    W2 = jax.random.normal(k4, (H, H), dtype=jnp.float32) * (1.0 / np.sqrt(H))
    b2 = jnp.zeros((H,), dtype=jnp.float32)
    return {"inputs": inputs, "edge_index": edge_index, "W1": W1, "b1": b1, "W2": W2, "b2": b2}

def gcn_conv(x, edge_index, W, b):
    # Faithful GCNConv: add self-loops, symmetric normalization, linear transform,
    # scatter-add aggregation, bias.
    n = x.shape[0]
    loop = jnp.arange(n, dtype=edge_index.dtype)
    src = jnp.concatenate([edge_index[0], loop])
    dst = jnp.concatenate([edge_index[1], loop])
    deg = jnp.zeros((n,), dtype=jnp.float32).at[dst].add(1.0)
    deg_inv_sqrt = jnp.where(deg > 0, 1.0 / jnp.sqrt(deg), 0.0)
    norm = deg_inv_sqrt[src] * deg_inv_sqrt[dst]
    xw = x @ W
    msg = xw[src] * norm[:, None]
    out = jnp.zeros((n, W.shape[1]), dtype=xw.dtype).at[dst].add(msg)
    return out + b

def reference(inputs, edge_index, W1, b1, W2, b2):
    h = jax.nn.relu(gcn_conv(inputs, edge_index, W1, b1))
    h = jax.nn.relu(gcn_conv(h, edge_index, W2, b2))
    return h

if __name__ == "__main__":
    import jax
    _d = setup_inputs()
    print(jax.jit(kernel)(*tuple(_d.values())))

</pallas_src>

<mosaic_0001>
#map = affine_map<(d0, d1) -> (0, 0)>
#map1 = affine_map<(d0, d1) -> (0)>
#map2 = affine_map<(d0, d1) -> (0, 0, 0)>
module attributes {stable_mosaic.version = 14 : i64} {
  func.func @agg_kernel(%arg0: i32, %arg1: i32, %arg2: memref<10240x128xf32, #tpu.memory_space<hbm>>, %arg3: memref<320000xi32, #tpu.memory_space<hbm>>, %arg4: memref<320000xi32, #tpu.memory_space<hbm>>, %arg5: memref<128x128xf32, #tpu.memory_space<hbm>>, %arg6: memref<2x10240x128xf32, #tpu.memory_space<hbm>>, %arg7: memref<10240x128xf32, #tpu.memory_space<vmem_shared>>, %arg8: memref<128x128xf32, #tpu.memory_space<vmem>>, %arg9: memref<128xi32, #tpu.memory_space<vmem>>, %arg10: memref<128xi32, #tpu.memory_space<vmem>>, %arg11: memref<!tpu.dma_semaphore, #tpu.memory_space<semaphore_mem>>, %arg12: memref<16x128xf32, #tpu.memory_space<vmem>>, %arg13: memref<16xi32, #tpu.memory_space<vmem>>, %arg14: memref<16xi32, #tpu.memory_space<vmem>>) attributes {dimension_semantics = [#tpu.dimension_semantics<core_parallel>, #tpu.dimension_semantics<subcore_parallel>], iteration_bounds = array<i64: 2, 16>, scalar_prefetch = 0 : i64, scratch_operands = 8 : i64, tpu.core_type = #tpu.core_type<sc_vector_subcore>, window_params = [{transform_indices = #map}, {transform_indices = #map1}, {transform_indices = #map1}, {transform_indices = #map}, {transform_indices = #map2}]} {
    %mul3A = arith.constant 2 : i32
    %mul3A_0 = arith.muli %arg1, %mul3A : i32
    %add3A = arith.addi %mul3A_0, %arg0 : i32
    %mul3A_1 = arith.constant 640 : i32
    %mul3A_2 = arith.muli %arg1, %mul3A_1 : i32
    %add3A_3 = arith.constant 0 : i32
    %add3A_4 = arith.addi %mul3A_2, %add3A_3 : i32
    "tpu.region"() ({
      %run_scoped3A = tpu.sem_alloc : memref<!tpu.dma_semaphore, #tpu.memory_space<semaphore_mem>>
      %dma_start3A_39 = arith.constant 0 : i32
      %dma_start3A_40 = tpu.memref_slice %arg7[%add3A_4, %dma_start3A_39] : memref<10240x128xf32, #tpu.memory_space<vmem_shared>> -> memref<128x128xf32, #tpu.memory_space<vmem_shared>>
      tpu.enqueue_dma source(%arg5 : memref<128x128xf32, #tpu.memory_space<hbm>>) target(%dma_start3A_40 : memref<128x128xf32, #tpu.memory_space<vmem_shared>>) target_semaphore(%run_scoped3A : memref<!tpu.dma_semaphore, #tpu.memory_space<semaphore_mem>>)
      %dma_wait3A_41 = arith.constant 0 : i32
      %dma_wait3A_42 = tpu.memref_slice %arg7[%add3A_4, %dma_wait3A_41] : memref<10240x128xf32, #tpu.memory_space<vmem_shared>> -> memref<128x128xf32, #tpu.memory_space<vmem_shared>>
      tpu.wait_dma2 semaphore(%run_scoped3A : memref<!tpu.dma_semaphore, #tpu.memory_space<semaphore_mem>>) src(%arg5 : memref<128x128xf32, #tpu.memory_space<hbm>>) dst(%dma_wait3A_42 : memref<128x128xf32, #tpu.memory_space<vmem_shared>>)
      tpu.yield
    }) : () -> ()
    %mul3A_5 = arith.constant 640 : i32
    %mul3A_6 = arith.muli %arg1, %mul3A_5 : i32
    %add3A_7 = arith.constant 128 : i32
    %add3A_8 = arith.addi %mul3A_6, %add3A_7 : i32
    "tpu.region"() ({
      %run_scoped3A = tpu.sem_alloc : memref<!tpu.dma_semaphore, #tpu.memory_space<semaphore_mem>>
      %dma_start3A_39 = arith.constant 0 : i32
      %dma_start3A_40 = tpu.memref_slice %arg7[%add3A_8, %dma_start3A_39] : memref<10240x128xf32, #tpu.memory_space<vmem_shared>> -> memref<128x128xf32, #tpu.memory_space<vmem_shared>>
      tpu.enqueue_dma source(%arg5 : memref<128x128xf32, #tpu.memory_space<hbm>>) target(%dma_start3A_40 : memref<128x128xf32, #tpu.memory_space<vmem_shared>>) target_semaphore(%run_scoped3A : memref<!tpu.dma_semaphore, #tpu.memory_space<semaphore_mem>>)
      %dma_wait3A_41 = arith.constant 0 : i32
      %dma_wait3A_42 = tpu.memref_slice %arg7[%add3A_8, %dma_wait3A_41] : memref<10240x128xf32, #tpu.memory_space<vmem_shared>> -> memref<128x128xf32, #tpu.memory_space<vmem_shared>>
      tpu.wait_dma2 semaphore(%run_scoped3A : memref<!tpu.dma_semaphore, #tpu.memory_space<semaphore_mem>>) src(%arg5 : memref<128x128xf32, #tpu.memory_space<hbm>>) dst(%dma_wait3A_42 : memref<128x128xf32, #tpu.memory_space<vmem_shared>>)
      tpu.yield
    }) : () -> ()
    %mul3A_9 = arith.constant 640 : i32
    %mul3A_10 = arith.muli %arg1, %mul3A_9 : i32
    %add3A_11 = arith.constant 256 : i32
    %add3A_12 = arith.addi %mul3A_10, %add3A_11 : i32
    "tpu.region"() ({
      %run_scoped3A = tpu.sem_alloc : memref<!tpu.dma_semaphore, #tpu.memory_space<semaphore_mem>>
      %dma_start3A_39 = arith.constant 0 : i32
      %dma_start3A_40 = tpu.memref_slice %arg7[%add3A_12, %dma_start3A_39] : memref<10240x128xf32, #tpu.memory_space<vmem_shared>> -> memref<128x128xf32, #tpu.memory_space<vmem_shared>>
      tpu.enqueue_dma source(%arg5 : memref<128x128xf32, #tpu.memory_space<hbm>>) target(%dma_start3A_40 : memref<128x128xf32, #tpu.memory_space<vmem_shared>>) target_semaphore(%run_scoped3A : memref<!tpu.dma_semaphore, #tpu.memory_space<semaphore_mem>>)
      %dma_wait3A_41 = arith.constant 0 : i32
      %dma_wait3A_42 = tpu.memref_slice %arg7[%add3A_12, %dma_wait3A_41] : memref<10240x128xf32, #tpu.memory_space<vmem_shared>> -> memref<128x128xf32, #tpu.memory_space<vmem_shared>>
      tpu.wait_dma2 semaphore(%run_scoped3A : memref<!tpu.dma_semaphore, #tpu.memory_space<semaphore_mem>>) src(%arg5 : memref<128x128xf32, #tpu.memory_space<hbm>>) dst(%dma_wait3A_42 : memref<128x128xf32, #tpu.memory_space<vmem_shared>>)
      tpu.yield
    }) : () -> ()
    %mul3A_13 = arith.constant 640 : i32
    %mul3A_14 = arith.muli %arg1, %mul3A_13 : i32
    %add3A_15 = arith.constant 384 : i32
    %add3A_16 = arith.addi %mul3A_14, %add3A_15 : i32
    "tpu.region"() ({
      %run_scoped3A = tpu.sem_alloc : memref<!tpu.dma_semaphore, #tpu.memory_space<semaphore_mem>>
      %dma_start3A_39 = arith.constant 0 : i32
      %dma_start3A_40 = tpu.memref_slice %arg7[%add3A_16, %dma_start3A_39] : memref<10240x128xf32, #tpu.memory_space<vmem_shared>> -> memref<128x128xf32, #tpu.memory_space<vmem_shared>>
      tpu.enqueue_dma source(%arg5 : memref<128x128xf32, #tpu.memory_space<hbm>>) target(%dma_start3A_40 : memref<128x128xf32, #tpu.memory_space<vmem_shared>>) target_semaphore(%run_scoped3A : memref<!tpu.dma_semaphore, #tpu.memory_space<semaphore_mem>>)
      %dma_wait3A_41 = arith.constant 0 : i32
      %dma_wait3A_42 = tpu.memref_slice %arg7[%add3A_16, %dma_wait3A_41] : memref<10240x128xf32, #tpu.memory_space<vmem_shared>> -> memref<128x128xf32, #tpu.memory_space<vmem_shared>>
      tpu.wait_dma2 semaphore(%run_scoped3A : memref<!tpu.dma_semaphore, #tpu.memory_space<semaphore_mem>>) src(%arg5 : memref<128x128xf32, #tpu.memory_space<hbm>>) dst(%dma_wait3A_42 : memref<128x128xf32, #tpu.memory_space<vmem_shared>>)
      tpu.yield
    }) : () -> ()
    %mul3A_17 = arith.constant 640 : i32
    %mul3A_18 = arith.muli %arg1, %mul3A_17 : i32
    %add3A_19 = arith.constant 512 : i32
    %add3A_20 = arith.addi %mul3A_18, %add3A_19 : i32
    "tpu.region"() ({
      %run_scoped3A = tpu.sem_alloc : memref<!tpu.dma_semaphore, #tpu.memory_space<semaphore_mem>>
      %dma_start3A_39 = arith.constant 0 : i32
      %dma_start3A_40 = tpu.memref_slice %arg7[%add3A_20, %dma_start3A_39] : memref<10240x128xf32, #tpu.memory_space<vmem_shared>> -> memref<128x128xf32, #tpu.memory_space<vmem_shared>>
      tpu.enqueue_dma source(%arg5 : memref<128x128xf32, #tpu.memory_space<hbm>>) target(%dma_start3A_40 : memref<128x128xf32, #tpu.memory_space<vmem_shared>>) target_semaphore(%run_scoped3A : memref<!tpu.dma_semaphore, #tpu.memory_space<semaphore_mem>>)
      %dma_wait3A_41 = arith.constant 0 : i32
      %dma_wait3A_42 = tpu.memref_slice %arg7[%add3A_20, %dma_wait3A_41] : memref<10240x128xf32, #tpu.memory_space<vmem_shared>> -> memref<128x128xf32, #tpu.memory_space<vmem_shared>>
      tpu.wait_dma2 semaphore(%run_scoped3A : memref<!tpu.dma_semaphore, #tpu.memory_space<semaphore_mem>>) src(%arg5 : memref<128x128xf32, #tpu.memory_space<hbm>>) dst(%dma_wait3A_42 : memref<128x128xf32, #tpu.memory_space<vmem_shared>>)
      tpu.yield
    }) : () -> ()
    %barrier3A = arith.constant 0 : index
    tpu.barrier barrier_id(%barrier3A)
    %mul3A_21 = arith.constant 10000 : i32
    %mul3A_22 = arith.muli %add3A, %mul3A_21 : i32
    %scan3A = arith.constant 0 : i32
    %scan3A_23 = arith.constant 0 : i32
    %scan3A_24 = arith.constant 78 : i32
    %scan3A_25 = arith.addi %scan3A_23, %scan3A_24 : i32
    %scan3A_26 = arith.constant 1 : i32
    scf.for %scan3A_39 = %scan3A_23 to %scan3A_25 step %scan3A_26  : i32 {
      %mul3A_40 = arith.constant 128 : i32
      %mul3A_41 = arith.muli %scan3A_39, %mul3A_40 : i32
      %add3A_42 = arith.addi %mul3A_22, %mul3A_41 : i32
      "tpu.region"() ({
        %run_scoped3A = tpu.sem_alloc : memref<!tpu.dma_semaphore, #tpu.memory_space<semaphore_mem>>
        %dma_start3A_49 = tpu.memref_slice %arg3[%add3A_42] : memref<320000xi32, #tpu.memory_space<hbm>> -> memref<128xi32, #tpu.memory_space<hbm>>
        %dma_start3A_50 = tpu.memref_slice %arg3[%add3A_42] : memref<320000xi32, #tpu.memory_space<hbm>> -> memref<128xi32, #tpu.memory_space<hbm>>
        tpu.enqueue_dma source(%dma_start3A_50 : memref<128xi32, #tpu.memory_space<hbm>>) target(%arg9 : memref<128xi32, #tpu.memory_space<vmem>>) target_semaphore(%run_scoped3A : memref<!tpu.dma_semaphore, #tpu.memory_space<semaphore_mem>>)
        %dma_wait3A_51 = tpu.memref_slice %arg3[%add3A_42] : memref<320000xi32, #tpu.memory_space<hbm>> -> memref<128xi32, #tpu.memory_space<hbm>>
        %dma_wait3A_52 = tpu.memref_slice %arg3[%add3A_42] : memref<320000xi32, #tpu.memory_space<hbm>> -> memref<128xi32, #tpu.memory_space<hbm>>
        tpu.wait_dma2 semaphore(%run_scoped3A : memref<!tpu.dma_semaphore, #tpu.memory_space<semaphore_mem>>) src(%dma_wait3A_52 : memref<128xi32, #tpu.memory_space<hbm>>) dst(%arg9 : memref<128xi32, #tpu.memory_space<vmem>>)
        tpu.yield
      }) : () -> ()
      "tpu.region"() ({
        %run_scoped3A = tpu.sem_alloc : memref<!tpu.dma_semaphore, #tpu.memory_space<semaphore_mem>>
        %dma_start3A_49 = tpu.memref_slice %arg4[%add3A_42] : memref<320000xi32, #tpu.memory_space<hbm>> -> memref<128xi32, #tpu.memory_space<hbm>>
        %dma_start3A_50 = tpu.memref_slice %arg4[%add3A_42] : memref<320000xi32, #tpu.memory_space<hbm>> -> memref<128xi32, #tpu.memory_space<hbm>>
        tpu.enqueue_dma source(%dma_start3A_50 : memref<128xi32, #tpu.memory_space<hbm>>) target(%arg10 : memref<128xi32, #tpu.memory_space<vmem>>) target_semaphore(%run_scoped3A : memref<!tpu.dma_semaphore, #tpu.memory_space<semaphore_mem>>)
        %dma_wait3A_51 = tpu.memref_slice %arg4[%add3A_42] : memref<320000xi32, #tpu.memory_space<hbm>> -> memref<128xi32, #tpu.memory_space<hbm>>
        %dma_wait3A_52 = tpu.memref_slice %arg4[%add3A_42] : memref<320000xi32, #tpu.memory_space<hbm>> -> memref<128xi32, #tpu.memory_space<hbm>>
        tpu.wait_dma2 semaphore(%run_scoped3A : memref<!tpu.dma_semaphore, #tpu.memory_space<semaphore_mem>>) src(%dma_wait3A_52 : memref<128xi32, #tpu.memory_space<hbm>>) dst(%arg10 : memref<128xi32, #tpu.memory_space<vmem>>)
        tpu.yield
      }) : () -> ()
      %dma_start3A_43 = arith.constant 0 : i32
      %dma_start3A_44 = arith.constant 0 : i32
      %dma_start3A_45 = tpu.memref_slice %arg2[%dma_start3A_43, %dma_start3A_44] : memref<10240x128xf32, #tpu.memory_space<hbm>> -> memref<10240x128xf32, #tpu.memory_space<hbm>>
      tpu.enqueue_indirect_dma source(%dma_start3A_45 : memref<10240x128xf32, #tpu.memory_space<hbm>>) target(%arg8 : memref<128x128xf32, #tpu.memory_space<vmem>>) offsets(%arg9 : memref<128xi32, #tpu.memory_space<vmem>>) semaphore(%arg11 : memref<!tpu.dma_semaphore, #tpu.memory_space<semaphore_mem>>)
      %dma_wait3A_46 = arith.constant 0 : i32
      %dma_wait3A_47 = arith.constant 0 : i32
      %dma_wait3A_48 = tpu.memref_slice %arg2[%dma_wait3A_46, %dma_wait3A_47] : memref<10240x128xf32, #tpu.memory_space<hbm>> -> memref<10240x128xf32, #tpu.memory_space<hbm>>
      tpu.wait_indirect_dma semaphore(%arg11 : memref<!tpu.dma_semaphore, #tpu.memory_space<semaphore_mem>>) src(%dma_wait3A_48 : memref<10240x128xf32, #tpu.memory_space<hbm>>) dst(%arg8 : memref<128x128xf32, #tpu.memory_space<vmem>>)
      "tpu.region"() ({
        %run_scoped3A = tpu.sem_alloc : memref<!tpu.dma_semaphore, #tpu.memory_space<semaphore_mem>>
        %dma_start3A_49 = arith.constant 0 : i32
        %dma_start3A_50 = arith.constant 0 : i32
        %dma_start3A_51 = tpu.memref_slice %arg7[%dma_start3A_49, %dma_start3A_50] : memref<10240x128xf32, #tpu.memory_space<vmem_shared>> -> memref<10240x128xf32, #tpu.memory_space<vmem_shared>>
        tpu.enqueue_indirect_dma source(%arg8 : memref<128x128xf32, #tpu.memory_space<vmem>>) target(%dma_start3A_51 : memref<10240x128xf32, #tpu.memory_space<vmem_shared>>) offsets(%arg10 : memref<128xi32, #tpu.memory_space<vmem>>) semaphore(%run_scoped3A : memref<!tpu.dma_semaphore, #tpu.memory_space<semaphore_mem>>) {add = true}
        %dma_wait3A_52 = arith.constant 0 : i32
        %dma_wait3A_53 = arith.constant 0 : i32
        %dma_wait3A_54 = tpu.memref_slice %arg7[%dma_wait3A_52, %dma_wait3A_53] : memref<10240x128xf32, #tpu.memory_space<vmem_shared>> -> memref<10240x128xf32, #tpu.memory_space<vmem_shared>>
        tpu.wait_indirect_dma semaphore(%run_scoped3A : memref<!tpu.dma_semaphore, #tpu.memory_space<semaphore_mem>>) src(%arg8 : memref<128x128xf32, #tpu.memory_space<vmem>>) dst(%dma_wait3A_54 : memref<10240x128xf32, #tpu.memory_space<vmem_shared>>)
        tpu.yield
      }) : () -> ()
    }
    %scan3A_27 = arith.constant 78 : i32
    %add3A_28 = arith.constant 9984 : i32
    %add3A_29 = arith.addi %mul3A_22, %add3A_28 : i32
    "tpu.region"() ({
      %run_scoped3A = tpu.sem_alloc : memref<!tpu.dma_semaphore, #tpu.memory_space<semaphore_mem>>
      %dma_start3A_39 = tpu.memref_slice %arg3[%add3A_29] : memref<320000xi32, #tpu.memory_space<hbm>> -> memref<16xi32, #tpu.memory_space<hbm>>
      %dma_start3A_40 = tpu.memref_slice %arg3[%add3A_29] : memref<320000xi32, #tpu.memory_space<hbm>> -> memref<16xi32, #tpu.memory_space<hbm>>
      tpu.enqueue_dma source(%dma_start3A_40 : memref<16xi32, #tpu.memory_space<hbm>>) target(%arg13 : memref<16xi32, #tpu.memory_space<vmem>>) target_semaphore(%run_scoped3A : memref<!tpu.dma_semaphore, #tpu.memory_space<semaphore_mem>>)
      %dma_wait3A_41 = tpu.memref_slice %arg3[%add3A_29] : memref<320000xi32, #tpu.memory_space<hbm>> -> memref<16xi32, #tpu.memory_space<hbm>>
      %dma_wait3A_42 = tpu.memref_slice %arg3[%add3A_29] : memref<320000xi32, #tpu.memory_space<hbm>> -> memref<16xi32, #tpu.memory_space<hbm>>
      tpu.wait_dma2 semaphore(%run_scoped3A : memref<!tpu.dma_semaphore, #tpu.memory_space<semaphore_mem>>) src(%dma_wait3A_42 : memref<16xi32, #tpu.memory_space<hbm>>) dst(%arg13 : memref<16xi32, #tpu.memory_space<vmem>>)
      tpu.yield
    }) : () -> ()
    "tpu.region"() ({
      %run_scoped3A = tpu.sem_alloc : memref<!tpu.dma_semaphore, #tpu.memory_space<semaphore_mem>>
      %dma_start3A_39 = tpu.memref_slice %arg4[%add3A_29] : memref<320000xi32, #tpu.memory_space<hbm>> -> memref<16xi32, #tpu.memory_space<hbm>>
      %dma_start3A_40 = tpu.memref_slice %arg4[%add3A_29] : memref<320000xi32, #tpu.memory_space<hbm>> -> memref<16xi32, #tpu.memory_space<hbm>>
      tpu.enqueue_dma source(%dma_start3A_40 : memref<16xi32, #tpu.memory_space<hbm>>) target(%arg14 : memref<16xi32, #tpu.memory_space<vmem>>) target_semaphore(%run_scoped3A : memref<!tpu.dma_semaphore, #tpu.memory_space<semaphore_mem>>)
      %dma_wait3A_41 = tpu.memref_slice %arg4[%add3A_29] : memref<320000xi32, #tpu.memory_space<hbm>> -> memref<16xi32, #tpu.memory_space<hbm>>
      %dma_wait3A_42 = tpu.memref_slice %arg4[%add3A_29] : memref<320000xi32, #tpu.memory_space<hbm>> -> memref<16xi32, #tpu.memory_space<hbm>>
      tpu.wait_dma2 semaphore(%run_scoped3A : memref<!tpu.dma_semaphore, #tpu.memory_space<semaphore_mem>>) src(%dma_wait3A_42 : memref<16xi32, #tpu.memory_space<hbm>>) dst(%arg14 : memref<16xi32, #tpu.memory_space<vmem>>)
      tpu.yield
    }) : () -> ()
    %dma_start3A = arith.constant 0 : i32
    %dma_start3A_30 = arith.constant 0 : i32
    %dma_start3A_31 = tpu.memref_slice %arg2[%dma_start3A, %dma_start3A_30] : memref<10240x128xf32, #tpu.memory_space<hbm>> -> memref<10240x128xf32, #tpu.memory_space<hbm>>
    tpu.enqueue_indirect_dma source(%dma_start3A_31 : memref<10240x128xf32, #tpu.memory_space<hbm>>) target(%arg12 : memref<16x128xf32, #tpu.memory_space<vmem>>) offsets(%arg13 : memref<16xi32, #tpu.memory_space<vmem>>) semaphore(%arg11 : memref<!tpu.dma_semaphore, #tpu.memory_space<semaphore_mem>>)
    %dma_wait3A = arith.constant 0 : i32
    %dma_wait3A_32 = arith.constant 0 : i32
    %dma_wait3A_33 = tpu.memref_slice %arg2[%dma_wait3A, %dma_wait3A_32] : memref<10240x128xf32, #tpu.memory_space<hbm>> -> memref<10240x128xf32, #tpu.memory_space<hbm>>
    tpu.wait_indirect_dma semaphore(%arg11 : memref<!tpu.dma_semaphore, #tpu.memory_space<semaphore_mem>>) src(%dma_wait3A_33 : memref<10240x128xf32, #tpu.memory_space<hbm>>) dst(%arg12 : memref<16x128xf32, #tpu.memory_space<vmem>>)
    "tpu.region"() ({
      %run_scoped3A = tpu.sem_alloc : memref<!tpu.dma_semaphore, #tpu.memory_space<semaphore_mem>>
      %dma_start3A_39 = arith.constant 0 : i32
      %dma_start3A_40 = arith.constant 0 : i32
      %dma_start3A_41 = tpu.memref_slice %arg7[%dma_start3A_39, %dma_start3A_40] : memref<10240x128xf32, #tpu.memory_space<vmem_shared>> -> memref<10240x128xf32, #tpu.memory_space<vmem_shared>>
      tpu.enqueue_indirect_dma source(%arg12 : memref<16x128xf32, #tpu.memory_space<vmem>>) target(%dma_start3A_41 : memref<10240x128xf32, #tpu.memory_space<vmem_shared>>) offsets(%arg14 : memref<16xi32, #tpu.memory_space<vmem>>) semaphore(%run_scoped3A : memref<!tpu.dma_semaphore, #tpu.memory_space<semaphore_mem>>) {add = true}
      %dma_wait3A_42 = arith.constant 0 : i32
      %dma_wait3A_43 = arith.constant 0 : i32
      %dma_wait3A_44 = tpu.memref_slice %arg7[%dma_wait3A_42, %dma_wait3A_43] : memref<10240x128xf32, #tpu.memory_space<vmem_shared>> -> memref<10240x128xf32, #tpu.memory_space<vmem_shared>>
      tpu.wait_indirect_dma semaphore(%run_scoped3A : memref<!tpu.dma_semaphore, #tpu.memory_space<semaphore_mem>>) src(%arg12 : memref<16x128xf32, #tpu.memory_space<vmem>>) dst(%dma_wait3A_44 : memref<10240x128xf32, #tpu.memory_space<vmem_shared>>)
      tpu.yield
    }) : () -> ()
    %barrier3A_34 = arith.constant 0 : index
    tpu.barrier barrier_id(%barrier3A_34)
    %mul3A_35 = arith.constant 640 : i32
    %mul3A_36 = arith.muli %arg1, %mul3A_35 : i32
    %mul3A_37 = arith.constant 640 : i32
    %mul3A_38 = arith.muli %arg1, %mul3A_37 : i32
    "tpu.region"() ({
      %run_scoped3A = tpu.sem_alloc : memref<!tpu.dma_semaphore, #tpu.memory_space<semaphore_mem>>
      %dma_start3A_39 = arith.constant 0 : i32
      %dma_start3A_40 = tpu.memref_slice %arg6[%arg0, %mul3A_38, %dma_start3A_39] : memref<2x10240x128xf32, #tpu.memory_space<hbm>> -> memref<1x640x128xf32, #tpu.memory_space<hbm>>
      %dma_start3A_41 = tpu.memref_squeeze %dma_start3A_40 : memref<1x640x128xf32, #tpu.memory_space<hbm>> -> memref<640x128xf32, #tpu.memory_space<hbm>>
      %dma_start3A_42 = arith.constant 0 : i32
      %dma_start3A_43 = tpu.memref_slice %arg7[%mul3A_36, %dma_start3A_42] : memref<10240x128xf32, #tpu.memory_space<vmem_shared>> -> memref<640x128xf32, #tpu.memory_space<vmem_shared>>
      tpu.enqueue_dma source(%dma_start3A_43 : memref<640x128xf32, #tpu.memory_space<vmem_shared>>) target(%dma_start3A_41 : memref<640x128xf32, #tpu.memory_space<hbm>>) target_semaphore(%run_scoped3A : memref<!tpu.dma_semaphore, #tpu.memory_space<semaphore_mem>>)
      %dma_wait3A_44 = arith.constant 0 : i32
      %dma_wait3A_45 = tpu.memref_slice %arg6[%arg0, %mul3A_38, %dma_wait3A_44] : memref<2x10240x128xf32, #tpu.memory_space<hbm>> -> memref<1x640x128xf32, #tpu.memory_space<hbm>>
      %dma_wait3A_46 = tpu.memref_squeeze %dma_wait3A_45 : memref<1x640x128xf32, #tpu.memory_space<hbm>> -> memref<640x128xf32, #tpu.memory_space<hbm>>
      %dma_wait3A_47 = arith.constant 0 : i32
      %dma_wait3A_48 = tpu.memref_slice %arg7[%mul3A_36, %dma_wait3A_47] : memref<10240x128xf32, #tpu.memory_space<vmem_shared>> -> memref<640x128xf32, #tpu.memory_space<vmem_shared>>
      tpu.wait_dma2 semaphore(%run_scoped3A : memref<!tpu.dma_semaphore, #tpu.memory_space<semaphore_mem>>) src(%dma_wait3A_48 : memref<640x128xf32, #tpu.memory_space<vmem_shared>>) dst(%dma_wait3A_46 : memref<640x128xf32, #tpu.memory_space<hbm>>)
      tpu.yield
    }) : () -> ()
    return
  }
}

#map = affine_map<(d0, d1) -> (0, 0)>
#map1 = affine_map<(d0, d1) -> (0)>
#map2 = affine_map<(d0, d1) -> (0, 0, 0)>
module attributes {stable_mosaic.version = 14 : i64} {
  func.func @agg_kernel(%arg0: i32, %arg1: i32, %arg2: memref<10240x128xf32, #tpu.memory_space<hbm>>, %arg3: memref<320000xi32, #tpu.memory_space<hbm>>, %arg4: memref<320000xi32, #tpu.memory_space<hbm>>, %arg5: memref<128x128xf32, #tpu.memory_space<hbm>>, %arg6: memref<2x10240x128xf32, #tpu.memory_space<hbm>>, %arg7: memref<10240x128xf32, #tpu.memory_space<vmem_shared>>, %arg8: memref<128x128xf32, #tpu.memory_space<vmem>>, %arg9: memref<128xi32, #tpu.memory_space<vmem>>, %arg10: memref<128xi32, #tpu.memory_space<vmem>>, %arg11: memref<!tpu.dma_semaphore, #tpu.memory_space<semaphore_mem>>, %arg12: memref<16x128xf32, #tpu.memory_space<vmem>>, %arg13: memref<16xi32, #tpu.memory_space<vmem>>, %arg14: memref<16xi32, #tpu.memory_space<vmem>>) attributes {dimension_semantics = [#tpu.dimension_semantics<core_parallel>, #tpu.dimension_semantics<subcore_parallel>], iteration_bounds = array<i64: 2, 16>, scalar_prefetch = 0 : i64, scratch_operands = 8 : i64, tpu.core_type = #tpu.core_type<sc_vector_subcore>, window_params = [{transform_indices = #map}, {transform_indices = #map1}, {transform_indices = #map1}, {transform_indices = #map}, {transform_indices = #map2}]} {
    %mul3A = arith.constant 2 : i32
    %mul3A_0 = arith.muli %arg1, %mul3A : i32
    %add3A = arith.addi %mul3A_0, %arg0 : i32
    %mul3A_1 = arith.constant 640 : i32
    %mul3A_2 = arith.muli %arg1, %mul3A_1 : i32
    %add3A_3 = arith.constant 0 : i32
    %add3A_4 = arith.addi %mul3A_2, %add3A_3 : i32
    "tpu.region"() ({
      %run_scoped3A = tpu.sem_alloc : memref<!tpu.dma_semaphore, #tpu.memory_space<semaphore_mem>>
      %dma_start3A_39 = arith.constant 0 : i32
      %dma_start3A_40 = tpu.memref_slice %arg7[%add3A_4, %dma_start3A_39] : memref<10240x128xf32, #tpu.memory_space<vmem_shared>> -> memref<128x128xf32, #tpu.memory_space<vmem_shared>>
      tpu.enqueue_dma source(%arg5 : memref<128x128xf32, #tpu.memory_space<hbm>>) target(%dma_start3A_40 : memref<128x128xf32, #tpu.memory_space<vmem_shared>>) target_semaphore(%run_scoped3A : memref<!tpu.dma_semaphore, #tpu.memory_space<semaphore_mem>>)
      %dma_wait3A_41 = arith.constant 0 : i32
      %dma_wait3A_42 = tpu.memref_slice %arg7[%add3A_4, %dma_wait3A_41] : memref<10240x128xf32, #tpu.memory_space<vmem_shared>> -> memref<128x128xf32, #tpu.memory_space<vmem_shared>>
      tpu.wait_dma2 semaphore(%run_scoped3A : memref<!tpu.dma_semaphore, #tpu.memory_space<semaphore_mem>>) src(%arg5 : memref<128x128xf32, #tpu.memory_space<hbm>>) dst(%dma_wait3A_42 : memref<128x128xf32, #tpu.memory_space<vmem_shared>>)
      tpu.yield
    }) : () -> ()
    %mul3A_5 = arith.constant 640 : i32
    %mul3A_6 = arith.muli %arg1, %mul3A_5 : i32
    %add3A_7 = arith.constant 128 : i32
    %add3A_8 = arith.addi %mul3A_6, %add3A_7 : i32
    "tpu.region"() ({
      %run_scoped3A = tpu.sem_alloc : memref<!tpu.dma_semaphore, #tpu.memory_space<semaphore_mem>>
      %dma_start3A_39 = arith.constant 0 : i32
      %dma_start3A_40 = tpu.memref_slice %arg7[%add3A_8, %dma_start3A_39] : memref<10240x128xf32, #tpu.memory_space<vmem_shared>> -> memref<128x128xf32, #tpu.memory_space<vmem_shared>>
      tpu.enqueue_dma source(%arg5 : memref<128x128xf32, #tpu.memory_space<hbm>>) target(%dma_start3A_40 : memref<128x128xf32, #tpu.memory_space<vmem_shared>>) target_semaphore(%run_scoped3A : memref<!tpu.dma_semaphore, #tpu.memory_space<semaphore_mem>>)
      %dma_wait3A_41 = arith.constant 0 : i32
      %dma_wait3A_42 = tpu.memref_slice %arg7[%add3A_8, %dma_wait3A_41] : memref<10240x128xf32, #tpu.memory_space<vmem_shared>> -> memref<128x128xf32, #tpu.memory_space<vmem_shared>>
      tpu.wait_dma2 semaphore(%run_scoped3A : memref<!tpu.dma_semaphore, #tpu.memory_space<semaphore_mem>>) src(%arg5 : memref<128x128xf32, #tpu.memory_space<hbm>>) dst(%dma_wait3A_42 : memref<128x128xf32, #tpu.memory_space<vmem_shared>>)
      tpu.yield
    }) : () -> ()
    %mul3A_9 = arith.constant 640 : i32
    %mul3A_10 = arith.muli %arg1, %mul3A_9 : i32
    %add3A_11 = arith.constant 256 : i32
    %add3A_12 = arith.addi %mul3A_10, %add3A_11 : i32
    "tpu.region"() ({
      %run_scoped3A = tpu.sem_alloc : memref<!tpu.dma_semaphore, #tpu.memory_space<semaphore_mem>>
      %dma_start3A_39 = arith.constant 0 : i32
      %dma_start3A_40 = tpu.memref_slice %arg7[%add3A_12, %dma_start3A_39] : memref<10240x128xf32, #tpu.memory_space<vmem_shared>> -> memref<128x128xf32, #tpu.memory_space<vmem_shared>>
      tpu.enqueue_dma source(%arg5 : memref<128x128xf32, #tpu.memory_space<hbm>>) target(%dma_start3A_40 : memref<128x128xf32, #tpu.memory_space<vmem_shared>>) target_semaphore(%run_scoped3A : memref<!tpu.dma_semaphore, #tpu.memory_space<semaphore_mem>>)
      %dma_wait3A_41 = arith.constant 0 : i32
      %dma_wait3A_42 = tpu.memref_slice %arg7[%add3A_12, %dma_wait3A_41] : memref<10240x128xf32, #tpu.memory_space<vmem_shared>> -> memref<128x128xf32, #tpu.memory_space<vmem_shared>>
      tpu.wait_dma2 semaphore(%run_scoped3A : memref<!tpu.dma_semaphore, #tpu.memory_space<semaphore_mem>>) src(%arg5 : memref<128x128xf32, #tpu.memory_space<hbm>>) dst(%dma_wait3A_42 : memref<128x128xf32, #tpu.memory_space<vmem_shared>>)
      tpu.yield
    }) : () -> ()
    %mul3A_13 = arith.constant 640 : i32
    %mul3A_14 = arith.muli %arg1, %mul3A_13 : i32
    %add3A_15 = arith.constant 384 : i32
    %add3A_16 = arith.addi %mul3A_14, %add3A_15 : i32
    "tpu.region"() ({
      %run_scoped3A = tpu.sem_alloc : memref<!tpu.dma_semaphore, #tpu.memory_space<semaphore_mem>>
      %dma_start3A_39 = arith.constant 0 : i32
      %dma_start3A_40 = tpu.memref_slice %arg7[%add3A_16, %dma_start3A_39] : memref<10240x128xf32, #tpu.memory_space<vmem_shared>> -> memref<128x128xf32, #tpu.memory_space<vmem_shared>>
      tpu.enqueue_dma source(%arg5 : memref<128x128xf32, #tpu.memory_space<hbm>>) target(%dma_start3A_40 : memref<128x128xf32, #tpu.memory_space<vmem_shared>>) target_semaphore(%run_scoped3A : memref<!tpu.dma_semaphore, #tpu.memory_space<semaphore_mem>>)
      %dma_wait3A_41 = arith.constant 0 : i32
      %dma_wait3A_42 = tpu.memref_slice %arg7[%add3A_16, %dma_wait3A_41] : memref<10240x128xf32, #tpu.memory_space<vmem_shared>> -> memref<128x128xf32, #tpu.memory_space<vmem_shared>>
      tpu.wait_dma2 semaphore(%run_scoped3A : memref<!tpu.dma_semaphore, #tpu.memory_space<semaphore_mem>>) src(%arg5 : memref<128x128xf32, #tpu.memory_space<hbm>>) dst(%dma_wait3A_42 : memref<128x128xf32, #tpu.memory_space<vmem_shared>>)
      tpu.yield
    }) : () -> ()
    %mul3A_17 = arith.constant 640 : i32
    %mul3A_18 = arith.muli %arg1, %mul3A_17 : i32
    %add3A_19 = arith.constant 512 : i32
    %add3A_20 = arith.addi %mul3A_18, %add3A_19 : i32
    "tpu.region"() ({
      %run_scoped3A = tpu.sem_alloc : memref<!tpu.dma_semaphore, #tpu.memory_space<semaphore_mem>>
      %dma_start3A_39 = arith.constant 0 : i32
      %dma_start3A_40 = tpu.memref_slice %arg7[%add3A_20, %dma_start3A_39] : memref<10240x128xf32, #tpu.memory_space<vmem_shared>> -> memref<128x128xf32, #tpu.memory_space<vmem_shared>>
      tpu.enqueue_dma source(%arg5 : memref<128x128xf32, #tpu.memory_space<hbm>>) target(%dma_start3A_40 : memref<128x128xf32, #tpu.memory_space<vmem_shared>>) target_semaphore(%run_scoped3A : memref<!tpu.dma_semaphore, #tpu.memory_space<semaphore_mem>>)
      %dma_wait3A_41 = arith.constant 0 : i32
      %dma_wait3A_42 = tpu.memref_slice %arg7[%add3A_20, %dma_wait3A_41] : memref<10240x128xf32, #tpu.memory_space<vmem_shared>> -> memref<128x128xf32, #tpu.memory_space<vmem_shared>>
      tpu.wait_dma2 semaphore(%run_scoped3A : memref<!tpu.dma_semaphore, #tpu.memory_space<semaphore_mem>>) src(%arg5 : memref<128x128xf32, #tpu.memory_space<hbm>>) dst(%dma_wait3A_42 : memref<128x128xf32, #tpu.memory_space<vmem_shared>>)
      tpu.yield
    }) : () -> ()
    %barrier3A = arith.constant 0 : index
    tpu.barrier barrier_id(%barrier3A)
    %mul3A_21 = arith.constant 10000 : i32
    %mul3A_22 = arith.muli %add3A, %mul3A_21 : i32
    %scan3A = arith.constant 0 : i32
    %scan3A_23 = arith.constant 0 : i32
    %scan3A_24 = arith.constant 78 : i32
    %scan3A_25 = arith.addi %scan3A_23, %scan3A_24 : i32
    %scan3A_26 = arith.constant 1 : i32
    scf.for %scan3A_39 = %scan3A_23 to %scan3A_25 step %scan3A_26  : i32 {
      %mul3A_40 = arith.constant 128 : i32
      %mul3A_41 = arith.muli %scan3A_39, %mul3A_40 : i32
      %add3A_42 = arith.addi %mul3A_22, %mul3A_41 : i32
      "tpu.region"() ({
        %run_scoped3A = tpu.sem_alloc : memref<!tpu.dma_semaphore, #tpu.memory_space<semaphore_mem>>
        %dma_start3A_49 = tpu.memref_slice %arg3[%add3A_42] : memref<320000xi32, #tpu.memory_space<hbm>> -> memref<128xi32, #tpu.memory_space<hbm>>
        %dma_start3A_50 = tpu.memref_slice %arg3[%add3A_42] : memref<320000xi32, #tpu.memory_space<hbm>> -> memref<128xi32, #tpu.memory_space<hbm>>
        tpu.enqueue_dma source(%dma_start3A_50 : memref<128xi32, #tpu.memory_space<hbm>>) target(%arg9 : memref<128xi32, #tpu.memory_space<vmem>>) target_semaphore(%run_scoped3A : memref<!tpu.dma_semaphore, #tpu.memory_space<semaphore_mem>>)
        %dma_wait3A_51 = tpu.memref_slice %arg3[%add3A_42] : memref<320000xi32, #tpu.memory_space<hbm>> -> memref<128xi32, #tpu.memory_space<hbm>>
        %dma_wait3A_52 = tpu.memref_slice %arg3[%add3A_42] : memref<320000xi32, #tpu.memory_space<hbm>> -> memref<128xi32, #tpu.memory_space<hbm>>
        tpu.wait_dma2 semaphore(%run_scoped3A : memref<!tpu.dma_semaphore, #tpu.memory_space<semaphore_mem>>) src(%dma_wait3A_52 : memref<128xi32, #tpu.memory_space<hbm>>) dst(%arg9 : memref<128xi32, #tpu.memory_space<vmem>>)
        tpu.yield
      }) : () -> ()
      "tpu.region"() ({
        %run_scoped3A = tpu.sem_alloc : memref<!tpu.dma_semaphore, #tpu.memory_space<semaphore_mem>>
        %dma_start3A_49 = tpu.memref_slice %arg4[%add3A_42] : memref<320000xi32, #tpu.memory_space<hbm>> -> memref<128xi32, #tpu.memory_space<hbm>>
        %dma_start3A_50 = tpu.memref_slice %arg4[%add3A_42] : memref<320000xi32, #tpu.memory_space<hbm>> -> memref<128xi32, #tpu.memory_space<hbm>>
        tpu.enqueue_dma source(%dma_start3A_50 : memref<128xi32, #tpu.memory_space<hbm>>) target(%arg10 : memref<128xi32, #tpu.memory_space<vmem>>) target_semaphore(%run_scoped3A : memref<!tpu.dma_semaphore, #tpu.memory_space<semaphore_mem>>)
        %dma_wait3A_51 = tpu.memref_slice %arg4[%add3A_42] : memref<320000xi32, #tpu.memory_space<hbm>> -> memref<128xi32, #tpu.memory_space<hbm>>
        %dma_wait3A_52 = tpu.memref_slice %arg4[%add3A_42] : memref<320000xi32, #tpu.memory_space<hbm>> -> memref<128xi32, #tpu.memory_space<hbm>>
        tpu.wait_dma2 semaphore(%run_scoped3A : memref<!tpu.dma_semaphore, #tpu.memory_space<semaphore_mem>>) src(%dma_wait3A_52 : memref<128xi32, #tpu.memory_space<hbm>>) dst(%arg10 : memref<128xi32, #tpu.memory_space<vmem>>)
        tpu.yield
      }) : () -> ()
      %dma_start3A_43 = arith.constant 0 : i32
      %dma_start3A_44 = arith.constant 0 : i32
      %dma_start3A_45 = tpu.memref_slice %arg2[%dma_start3A_43, %dma_start3A_44] : memref<10240x128xf32, #tpu.memory_space<hbm>> -> memref<10240x128xf32, #tpu.memory_space<hbm>>
      tpu.enqueue_indirect_dma source(%dma_start3A_45 : memref<10240x128xf32, #tpu.memory_space<hbm>>) target(%arg8 : memref<128x128xf32, #tpu.memory_space<vmem>>) offsets(%arg9 : memref<128xi32, #tpu.memory_space<vmem>>) semaphore(%arg11 : memref<!tpu.dma_semaphore, #tpu.memory_space<semaphore_mem>>)
      %dma_wait3A_46 = arith.constant 0 : i32
      %dma_wait3A_47 = arith.constant 0 : i32
      %dma_wait3A_48 = tpu.memref_slice %arg2[%dma_wait3A_46, %dma_wait3A_47] : memref<10240x128xf32, #tpu.memory_space<hbm>> -> memref<10240x128xf32, #tpu.memory_space<hbm>>
      tpu.wait_indirect_dma semaphore(%arg11 : memref<!tpu.dma_semaphore, #tpu.memory_space<semaphore_mem>>) src(%dma_wait3A_48 : memref<10240x128xf32, #tpu.memory_space<hbm>>) dst(%arg8 : memref<128x128xf32, #tpu.memory_space<vmem>>)
      "tpu.region"() ({
        %run_scoped3A = tpu.sem_alloc : memref<!tpu.dma_semaphore, #tpu.memory_space<semaphore_mem>>
        %dma_start3A_49 = arith.constant 0 : i32
        %dma_start3A_50 = arith.constant 0 : i32
        %dma_start3A_51 = tpu.memref_slice %arg7[%dma_start3A_49, %dma_start3A_50] : memref<10240x128xf32, #tpu.memory_space<vmem_shared>> -> memref<10240x128xf32, #tpu.memory_space<vmem_shared>>
        tpu.enqueue_indirect_dma source(%arg8 : memref<128x128xf32, #tpu.memory_space<vmem>>) target(%dma_start3A_51 : memref<10240x128xf32, #tpu.memory_space<vmem_shared>>) offsets(%arg10 : memref<128xi32, #tpu.memory_space<vmem>>) semaphore(%run_scoped3A : memref<!tpu.dma_semaphore, #tpu.memory_space<semaphore_mem>>) {add = true}
        %dma_wait3A_52 = arith.constant 0 : i32
        %dma_wait3A_53 = arith.constant 0 : i32
        %dma_wait3A_54 = tpu.memref_slice %arg7[%dma_wait3A_52, %dma_wait3A_53] : memref<10240x128xf32, #tpu.memory_space<vmem_shared>> -> memref<10240x128xf32, #tpu.memory_space<vmem_shared>>
        tpu.wait_indirect_dma semaphore(%run_scoped3A : memref<!tpu.dma_semaphore, #tpu.memory_space<semaphore_mem>>) src(%arg8 : memref<128x128xf32, #tpu.memory_space<vmem>>) dst(%dma_wait3A_54 : memref<10240x128xf32, #tpu.memory_space<vmem_shared>>)
        tpu.yield
      }) : () -> ()
    }
    %scan3A_27 = arith.constant 78 : i32
    %add3A_28 = arith.constant 9984 : i32
    %add3A_29 = arith.addi %mul3A_22, %add3A_28 : i32
    "tpu.region"() ({
      %run_scoped3A = tpu.sem_alloc : memref<!tpu.dma_semaphore, #tpu.memory_space<semaphore_mem>>
      %dma_start3A_39 = tpu.memref_slice %arg3[%add3A_29] : memref<320000xi32, #tpu.memory_space<hbm>> -> memref<16xi32, #tpu.memory_space<hbm>>
      %dma_start3A_40 = tpu.memref_slice %arg3[%add3A_29] : memref<320000xi32, #tpu.memory_space<hbm>> -> memref<16xi32, #tpu.memory_space<hbm>>
      tpu.enqueue_dma source(%dma_start3A_40 : memref<16xi32, #tpu.memory_space<hbm>>) target(%arg13 : memref<16xi32, #tpu.memory_space<vmem>>) target_semaphore(%run_scoped3A : memref<!tpu.dma_semaphore, #tpu.memory_space<semaphore_mem>>)
      %dma_wait3A_41 = tpu.memref_slice %arg3[%add3A_29] : memref<320000xi32, #tpu.memory_space<hbm>> -> memref<16xi32, #tpu.memory_space<hbm>>
      %dma_wait3A_42 = tpu.memref_slice %arg3[%add3A_29] : memref<320000xi32, #tpu.memory_space<hbm>> -> memref<16xi32, #tpu.memory_space<hbm>>
      tpu.wait_dma2 semaphore(%run_scoped3A : memref<!tpu.dma_semaphore, #tpu.memory_space<semaphore_mem>>) src(%dma_wait3A_42 : memref<16xi32, #tpu.memory_space<hbm>>) dst(%arg13 : memref<16xi32, #tpu.memory_space<vmem>>)
      tpu.yield
    }) : () -> ()
    "tpu.region"() ({
      %run_scoped3A = tpu.sem_alloc : memref<!tpu.dma_semaphore, #tpu.memory_space<semaphore_mem>>
      %dma_start3A_39 = tpu.memref_slice %arg4[%add3A_29] : memref<320000xi32, #tpu.memory_space<hbm>> -> memref<16xi32, #tpu.memory_space<hbm>>
      %dma_start3A_40 = tpu.memref_slice %arg4[%add3A_29] : memref<320000xi32, #tpu.memory_space<hbm>> -> memref<16xi32, #tpu.memory_space<hbm>>
      tpu.enqueue_dma source(%dma_start3A_40 : memref<16xi32, #tpu.memory_space<hbm>>) target(%arg14 : memref<16xi32, #tpu.memory_space<vmem>>) target_semaphore(%run_scoped3A : memref<!tpu.dma_semaphore, #tpu.memory_space<semaphore_mem>>)
      %dma_wait3A_41 = tpu.memref_slice %arg4[%add3A_29] : memref<320000xi32, #tpu.memory_space<hbm>> -> memref<16xi32, #tpu.memory_space<hbm>>
      %dma_wait3A_42 = tpu.memref_slice %arg4[%add3A_29] : memref<320000xi32, #tpu.memory_space<hbm>> -> memref<16xi32, #tpu.memory_space<hbm>>
      tpu.wait_dma2 semaphore(%run_scoped3A : memref<!tpu.dma_semaphore, #tpu.memory_space<semaphore_mem>>) src(%dma_wait3A_42 : memref<16xi32, #tpu.memory_space<hbm>>) dst(%arg14 : memref<16xi32, #tpu.memory_space<vmem>>)
      tpu.yield
    }) : () -> ()
    %dma_start3A = arith.constant 0 : i32
    %dma_start3A_30 = arith.constant 0 : i32
    %dma_start3A_31 = tpu.memref_slice %arg2[%dma_start3A, %dma_start3A_30] : memref<10240x128xf32, #tpu.memory_space<hbm>> -> memref<10240x128xf32, #tpu.memory_space<hbm>>
    tpu.enqueue_indirect_dma source(%dma_start3A_31 : memref<10240x128xf32, #tpu.memory_space<hbm>>) target(%arg12 : memref<16x128xf32, #tpu.memory_space<vmem>>) offsets(%arg13 : memref<16xi32, #tpu.memory_space<vmem>>) semaphore(%arg11 : memref<!tpu.dma_semaphore, #tpu.memory_space<semaphore_mem>>)
    %dma_wait3A = arith.constant 0 : i32
    %dma_wait3A_32 = arith.constant 0 : i32
    %dma_wait3A_33 = tpu.memref_slice %arg2[%dma_wait3A, %dma_wait3A_32] : memref<10240x128xf32, #tpu.memory_space<hbm>> -> memref<10240x128xf32, #tpu.memory_space<hbm>>
    tpu.wait_indirect_dma semaphore(%arg11 : memref<!tpu.dma_semaphore, #tpu.memory_space<semaphore_mem>>) src(%dma_wait3A_33 : memref<10240x128xf32, #tpu.memory_space<hbm>>) dst(%arg12 : memref<16x128xf32, #tpu.memory_space<vmem>>)
    "tpu.region"() ({
      %run_scoped3A = tpu.sem_alloc : memref<!tpu.dma_semaphore, #tpu.memory_space<semaphore_mem>>
      %dma_start3A_39 = arith.constant 0 : i32
      %dma_start3A_40 = arith.constant 0 : i32
      %dma_start3A_41 = tpu.memref_slice %arg7[%dma_start3A_39, %dma_start3A_40] : memref<10240x128xf32, #tpu.memory_space<vmem_shared>> -> memref<10240x128xf32, #tpu.memory_space<vmem_shared>>
      tpu.enqueue_indirect_dma source(%arg12 : memref<16x128xf32, #tpu.memory_space<vmem>>) target(%dma_start3A_41 : memref<10240x128xf32, #tpu.memory_space<vmem_shared>>) offsets(%arg14 : memref<16xi32, #tpu.memory_space<vmem>>) semaphore(%run_scoped3A : memref<!tpu.dma_semaphore, #tpu.memory_space<semaphore_mem>>) {add = true}
      %dma_wait3A_42 = arith.constant 0 : i32
      %dma_wait3A_43 = arith.constant 0 : i32
      %dma_wait3A_44 = tpu.memref_slice %arg7[%dma_wait3A_42, %dma_wait3A_43] : memref<10240x128xf32, #tpu.memory_space<vmem_shared>> -> memref<10240x128xf32, #tpu.memory_space<vmem_shared>>
      tpu.wait_indirect_dma semaphore(%run_scoped3A : memref<!tpu.dma_semaphore, #tpu.memory_space<semaphore_mem>>) src(%arg12 : memref<16x128xf32, #tpu.memory_space<vmem>>) dst(%dma_wait3A_44 : memref<10240x128xf32, #tpu.memory_space<vmem_shared>>)
      tpu.yield
    }) : () -> ()
    %barrier3A_34 = arith.constant 0 : index
    tpu.barrier barrier_id(%barrier3A_34)
    %mul3A_35 = arith.constant 640 : i32
    %mul3A_36 = arith.muli %arg1, %mul3A_35 : i32
    %mul3A_37 = arith.constant 640 : i32
    %mul3A_38 = arith.muli %arg1, %mul3A_37 : i32
    "tpu.region"() ({
      %run_scoped3A = tpu.sem_alloc : memref<!tpu.dma_semaphore, #tpu.memory_space<semaphore_mem>>
      %dma_start3A_39 = arith.constant 0 : i32
      %dma_start3A_40 = tpu.memref_slice %arg6[%arg0, %mul3A_38, %dma_start3A_39] : memref<2x10240x128xf32, #tpu.memory_space<hbm>> -> memref<1x640x128xf32, #tpu.memory_space<hbm>>
      %dma_start3A_41 = tpu.memref_squeeze %dma_start3A_40 : memref<1x640x128xf32, #tpu.memory_space<hbm>> -> memref<640x128xf32, #tpu.memory_space<hbm>>
      %dma_start3A_42 = arith.constant 0 : i32
      %dma_start3A_43 = tpu.memref_slice %arg7[%mul3A_36, %dma_start3A_42] : memref<10240x128xf32, #tpu.memory_space<vmem_shared>> -> memref<640x128xf32, #tpu.memory_space<vmem_shared>>
      tpu.enqueue_dma source(%dma_start3A_43 : memref<640x128xf32, #tpu.memory_space<vmem_shared>>) target(%dma_start3A_41 : memref<640x128xf32, #tpu.memory_space<hbm>>) target_semaphore(%run_scoped3A : memref<!tpu.dma_semaphore, #tpu.memory_space<semaphore_mem>>)
      %dma_wait3A_44 = arith.constant 0 : i32
      %dma_wait3A_45 = tpu.memref_slice %arg6[%arg0, %mul3A_38, %dma_wait3A_44] : memref<2x10240x128xf32, #tpu.memory_space<hbm>> -> memref<1x640x128xf32, #tpu.memory_space<hbm>>
      %dma_wait3A_46 = tpu.memref_squeeze %dma_wait3A_45 : memref<1x640x128xf32, #tpu.memory_space<hbm>> -> memref<640x128xf32, #tpu.memory_space<hbm>>
      %dma_wait3A_47 = arith.constant 0 : i32
      %dma_wait3A_48 = tpu.memref_slice %arg7[%mul3A_36, %dma_wait3A_47] : memref<10240x128xf32, #tpu.memory_space<vmem_shared>> -> memref<640x128xf32, #tpu.memory_space<vmem_shared>>
      tpu.wait_dma2 semaphore(%run_scoped3A : memref<!tpu.dma_semaphore, #tpu.memory_space<semaphore_mem>>) src(%dma_wait3A_48 : memref<640x128xf32, #tpu.memory_space<vmem_shared>>) dst(%dma_wait3A_46 : memref<640x128xf32, #tpu.memory_space<hbm>>)
      tpu.yield
    }) : () -> ()
    return
  }
}

#map = affine_map<(d0, d1) -> (0)>
#map1 = affine_map<(d0, d1) -> (0, 0)>
#map2 = affine_map<(d0, d1) -> (0, 0, 0)>
module attributes {stable_mosaic.version = 14 : i64} {
  func.func @deg_kernel(%arg0: i32, %arg1: i32, %arg2: memref<320000xi32, #tpu.memory_space<hbm>>, %arg3: memref<640x16xf32, #tpu.memory_space<hbm>>, %arg4: memref<80x16xf32, #tpu.memory_space<hbm>>, %arg5: memref<2x10240x16xf32, #tpu.memory_space<hbm>>, %arg6: memref<10240x16xf32, #tpu.memory_space<vmem_shared>>, %arg7: memref<80x16xf32, #tpu.memory_space<vmem>>, %arg8: memref<80xi32, #tpu.memory_space<vmem>>) attributes {dimension_semantics = [#tpu.dimension_semantics<core_parallel>, #tpu.dimension_semantics<subcore_parallel>], iteration_bounds = array<i64: 2, 16>, scalar_prefetch = 0 : i64, scratch_operands = 3 : i64, tpu.core_type = #tpu.core_type<sc_vector_subcore>, window_params = [{transform_indices = #map}, {transform_indices = #map1}, {transform_indices = #map1}, {transform_indices = #map2}]} {
    %mul3A = arith.constant 2 : i32
    %mul3A_0 = arith.muli %arg1, %mul3A : i32
    %add3A = arith.addi %mul3A_0, %arg0 : i32
    "tpu.region"() ({
      %run_scoped3A = tpu.sem_alloc : memref<!tpu.dma_semaphore, #tpu.memory_space<semaphore_mem>>
      tpu.enqueue_dma source(%arg4 : memref<80x16xf32, #tpu.memory_space<hbm>>) target(%arg7 : memref<80x16xf32, #tpu.memory_space<vmem>>) target_semaphore(%run_scoped3A : memref<!tpu.dma_semaphore, #tpu.memory_space<semaphore_mem>>)
      tpu.wait_dma2 semaphore(%run_scoped3A : memref<!tpu.dma_semaphore, #tpu.memory_space<semaphore_mem>>) src(%arg4 : memref<80x16xf32, #tpu.memory_space<hbm>>) dst(%arg7 : memref<80x16xf32, #tpu.memory_space<vmem>>)
      tpu.yield
    }) : () -> ()
    %mul3A_1 = arith.constant 640 : i32
    %mul3A_2 = arith.muli %arg1, %mul3A_1 : i32
    "tpu.region"() ({
      %run_scoped3A = tpu.sem_alloc : memref<!tpu.dma_semaphore, #tpu.memory_space<semaphore_mem>>
      %dma_start3A = arith.constant 0 : i32
      %dma_start3A_15 = tpu.memref_slice %arg6[%mul3A_2, %dma_start3A] : memref<10240x16xf32, #tpu.memory_space<vmem_shared>> -> memref<640x16xf32, #tpu.memory_space<vmem_shared>>
      tpu.enqueue_dma source(%arg3 : memref<640x16xf32, #tpu.memory_space<hbm>>) target(%dma_start3A_15 : memref<640x16xf32, #tpu.memory_space<vmem_shared>>) target_semaphore(%run_scoped3A : memref<!tpu.dma_semaphore, #tpu.memory_space<semaphore_mem>>)
      %dma_wait3A = arith.constant 0 : i32
      %dma_wait3A_16 = tpu.memref_slice %arg6[%mul3A_2, %dma_wait3A] : memref<10240x16xf32, #tpu.memory_space<vmem_shared>> -> memref<640x16xf32, #tpu.memory_space<vmem_shared>>
      tpu.wait_dma2 semaphore(%run_scoped3A : memref<!tpu.dma_semaphore, #tpu.memory_space<semaphore_mem>>) src(%arg3 : memref<640x16xf32, #tpu.memory_space<hbm>>) dst(%dma_wait3A_16 : memref<640x16xf32, #tpu.memory_space<vmem_shared>>)
      tpu.yield
    }) : () -> ()
    %barrier3A = arith.constant 0 : index
    tpu.barrier barrier_id(%barrier3A)
    %mul3A_3 = arith.constant 10000 : i32
    %mul3A_4 = arith.muli %add3A, %mul3A_3 : i32
    %scan3A = arith.constant 0 : i32
    %scan3A_5 = arith.constant 0 : i32
    %scan3A_6 = arith.constant 125 : i32
    %scan3A_7 = arith.addi %scan3A_5, %scan3A_6 : i32
    %scan3A_8 = arith.constant 1 : i32
    scf.for %scan3A_15 = %scan3A_5 to %scan3A_7 step %scan3A_8  : i32 {
      %mul3A_16 = arith.constant 80 : i32
      %mul3A_17 = arith.muli %scan3A_15, %mul3A_16 : i32
      %add3A_18 = arith.addi %mul3A_4, %mul3A_17 : i32
      "tpu.region"() ({
        %run_scoped3A = tpu.sem_alloc : memref<!tpu.dma_semaphore, #tpu.memory_space<semaphore_mem>>
        %dma_start3A = tpu.memref_slice %arg2[%add3A_18] : memref<320000xi32, #tpu.memory_space<hbm>> -> memref<80xi32, #tpu.memory_space<hbm>>
        %dma_start3A_19 = tpu.memref_slice %arg2[%add3A_18] : memref<320000xi32, #tpu.memory_space<hbm>> -> memref<80xi32, #tpu.memory_space<hbm>>
        tpu.enqueue_dma source(%dma_start3A_19 : memref<80xi32, #tpu.memory_space<hbm>>) target(%arg8 : memref<80xi32, #tpu.memory_space<vmem>>) target_semaphore(%run_scoped3A : memref<!tpu.dma_semaphore, #tpu.memory_space<semaphore_mem>>)
        %dma_wait3A = tpu.memref_slice %arg2[%add3A_18] : memref<320000xi32, #tpu.memory_space<hbm>> -> memref<80xi32, #tpu.memory_space<hbm>>
        %dma_wait3A_20 = tpu.memref_slice %arg2[%add3A_18] : memref<320000xi32, #tpu.memory_space<hbm>> -> memref<80xi32, #tpu.memory_space<hbm>>
        tpu.wait_dma2 semaphore(%run_scoped3A : memref<!tpu.dma_semaphore, #tpu.memory_space<semaphore_mem>>) src(%dma_wait3A_20 : memref<80xi32, #tpu.memory_space<hbm>>) dst(%arg8 : memref<80xi32, #tpu.memory_space<vmem>>)
        tpu.yield
      }) : () -> ()
      "tpu.region"() ({
        %run_scoped3A = tpu.sem_alloc : memref<!tpu.dma_semaphore, #tpu.memory_space<semaphore_mem>>
        %dma_start3A = arith.constant 0 : i32
        %dma_start3A_19 = arith.constant 0 : i32
        %dma_start3A_20 = tpu.memref_slice %arg6[%dma_start3A, %dma_start3A_19] : memref<10240x16xf32, #tpu.memory_space<vmem_shared>> -> memref<10240x16xf32, #tpu.memory_space<vmem_shared>>
        tpu.enqueue_indirect_dma source(%arg7 : memref<80x16xf32, #tpu.memory_space<vmem>>) target(%dma_start3A_20 : memref<10240x16xf32, #tpu.memory_space<vmem_shared>>) offsets(%arg8 : memref<80xi32, #tpu.memory_space<vmem>>) semaphore(%run_scoped3A : memref<!tpu.dma_semaphore, #tpu.memory_space<semaphore_mem>>) {add = true}
        %dma_wait3A = arith.constant 0 : i32
        %dma_wait3A_21 = arith.constant 0 : i32
        %dma_wait3A_22 = tpu.memref_slice %arg6[%dma_wait3A, %dma_wait3A_21] : memref<10240x16xf32, #tpu.memory_space<vmem_shared>> -> memref<10240x16xf32, #tpu.memory_space<vmem_shared>>
        tpu.wait_indirect_dma semaphore(%run_scoped3A : memref<!tpu.dma_semaphore, #tpu.memory_space<semaphore_mem>>) src(%arg7 : memref<80x16xf32, #tpu.memory_space<vmem>>) dst(%dma_wait3A_22 : memref<10240x16xf32, #tpu.memory_space<vmem_shared>>)
        tpu.yield
      }) : () -> ()
    }
    %scan3A_9 = arith.constant 125 : i32
    %barrier3A_10 = arith.constant 0 : index
    tpu.barrier barrier_id(%barrier3A_10)
    %mul3A_11 = arith.constant 640 : i32
    %mul3A_12 = arith.muli %arg1, %mul3A_11 : i32
    %mul3A_13 = arith.constant 640 : i32
    %mul3A_14 = arith.muli %arg1, %mul3A_13 : i32
    "tpu.region"() ({
      %run_scoped3A = tpu.sem_alloc : memref<!tpu.dma_semaphore, #tpu.memory_space<semaphore_mem>>
      %dma_start3A = arith.constant 0 : i32
      %dma_start3A_15 = tpu.memref_slice %arg5[%arg0, %mul3A_14, %dma_start3A] : memref<2x10240x16xf32, #tpu.memory_space<hbm>> -> memref<1x640x16xf32, #tpu.memory_space<hbm>>
      %dma_start3A_16 = tpu.memref_squeeze %dma_start3A_15 : memref<1x640x16xf32, #tpu.memory_space<hbm>> -> memref<640x16xf32, #tpu.memory_space<hbm>>
      %dma_start3A_17 = arith.constant 0 : i32
      %dma_start3A_18 = tpu.memref_slice %arg6[%mul3A_12, %dma_start3A_17] : memref<10240x16xf32, #tpu.memory_space<vmem_shared>> -> memref<640x16xf32, #tpu.memory_space<vmem_shared>>
      tpu.enqueue_dma source(%dma_start3A_18 : memref<640x16xf32, #tpu.memory_space<vmem_shared>>) target(%dma_start3A_16 : memref<640x16xf32, #tpu.memory_space<hbm>>) target_semaphore(%run_scoped3A : memref<!tpu.dma_semaphore, #tpu.memory_space<semaphore_mem>>)
      %dma_wait3A = arith.constant 0 : i32
      %dma_wait3A_19 = tpu.memref_slice %arg5[%arg0, %mul3A_14, %dma_wait3A] : memref<2x10240x16xf32, #tpu.memory_space<hbm>> -> memref<1x640x16xf32, #tpu.memory_space<hbm>>
      %dma_wait3A_20 = tpu.memref_squeeze %dma_wait3A_19 : memref<1x640x16xf32, #tpu.memory_space<hbm>> -> memref<640x16xf32, #tpu.memory_space<hbm>>
      %dma_wait3A_21 = arith.constant 0 : i32
      %dma_wait3A_22 = tpu.memref_slice %arg6[%mul3A_12, %dma_wait3A_21] : memref<10240x16xf32, #tpu.memory_space<vmem_shared>> -> memref<640x16xf32, #tpu.memory_space<vmem_shared>>
      tpu.wait_dma2 semaphore(%run_scoped3A : memref<!tpu.dma_semaphore, #tpu.memory_space<semaphore_mem>>) src(%dma_wait3A_22 : memref<640x16xf32, #tpu.memory_space<vmem_shared>>) dst(%dma_wait3A_20 : memref<640x16xf32, #tpu.memory_space<hbm>>)
      tpu.yield
    }) : () -> ()
    return
  }
}

module attributes {stable_mosaic.version = 14 : i64} {
  func.func @_tc1_body(%arg0: i32, %arg1: memref<2x640x16xf32, #tpu.memory_space<vmem>>, %arg2: memref<640x128xf32, #tpu.memory_space<vmem>>, %arg3: memref<128x128xf32, #tpu.memory_space<vmem>>, %arg4: memref<640x128xf32, #tpu.memory_space<vmem>>, %arg5: memref<640x128xf32, #tpu.memory_space<vmem>>) attributes {dimension_semantics = [#tpu.dimension_semantics<arbitrary>], iteration_bounds = array<i64: 16>, scalar_prefetch = 0 : i64, scratch_operands = 0 : i64, tpu.core_type = #tpu.core_type<tc>, window_params = [{transform_indices = @transform_0, window_bounds = array<i64: 2, 640, 16>}, {transform_indices = @transform_1, window_bounds = array<i64: 640, 128>}, {pipeline_mode = #tpu.pipeline_mode<synchronous>, transform_indices = @transform_2, window_bounds = array<i64: 128, 128>}, {transform_indices = @transform_3, window_bounds = array<i64: 640, 128>}, {transform_indices = @transform_4, window_bounds = array<i64: 640, 128>}]} {
    %get3A = arith.constant 0 : index
    %get3A_0 = arith.constant 0 : index
    %get3A_1 = arith.constant 0 : index
    %get3A_2 = vector.load %arg1[%get3A, %get3A_0, %get3A_1] : memref<2x640x16xf32, #tpu.memory_space<vmem>>, vector<1x640x1xf32>
    %get3A_3 = vector.shape_cast %get3A_2 : vector<1x640x1xf32> to vector<640x1xf32>
    %get3A_4 = arith.constant 1 : index
    %get3A_5 = arith.constant 0 : index
    %get3A_6 = arith.constant 0 : index
    %get3A_7 = vector.load %arg1[%get3A_4, %get3A_5, %get3A_6] : memref<2x640x16xf32, #tpu.memory_space<vmem>>, vector<1x640x1xf32>
    %get3A_8 = vector.shape_cast %get3A_7 : vector<1x640x1xf32> to vector<640x1xf32>
    %add3A = arith.addf %get3A_3, %get3A_8 : vector<640x1xf32>
    %add3A_9 = arith.constant 1.000000e+00 : f32
    %add3A_10 = vector.broadcast %add3A_9 : f32 to vector<640x1xf32>
    %add3A_11 = arith.addf %add3A, %add3A_10 : vector<640x1xf32>
    %rsqrt3A = math.rsqrt %add3A_11 : vector<640x1xf32>
    %get3A_12 = arith.constant 0 : index
    %get3A_13 = arith.constant 0 : index
    %get3A_14 = vector.load %arg2[%get3A_12, %get3A_13] : memref<640x128xf32, #tpu.memory_space<vmem>>, vector<640x128xf32>
    %get3A_15 = arith.constant 0 : index
    %get3A_16 = arith.constant 0 : index
    %get3A_17 = vector.load %arg3[%get3A_15, %get3A_16] : memref<128x128xf32, #tpu.memory_space<vmem>>, vector<128x128xf32>
    %dot_general3A = arith.constant dense<0.000000e+00> : vector<640x128xf32>
    %dot_general3A_18 = tpu.matmul %get3A_14, %get3A_17, %dot_general3A {dimension_numbers = #tpu.dot_dimension_numbers<[1], [0], [0], [1], [0, 0, 1, 1], [], []>, transpose_lhs_hint = false} : vector<640x128xf32>, vector<128x128xf32>, vector<640x128xf32> -> vector<640x128xf32>
    %mul3A = vector.broadcast %rsqrt3A : vector<640x1xf32> to vector<640x128xf32>
    %mul3A_19 = arith.mulf %dot_general3A_18, %mul3A : vector<640x128xf32>
    %swap3A = arith.constant 0 : index
    %swap3A_20 = arith.constant 0 : index
    %swap3A_21 = vector.load %arg4[%swap3A, %swap3A_20] : memref<640x128xf32, #tpu.memory_space<vmem>>, vector<640x128xf32>
    tpu.vector_store %arg4[%swap3A, %swap3A_20], %mul3A_19 {strides = array<i32>} : memref<640x128xf32, #tpu.memory_space<vmem>>, vector<640x128xf32>,
    %broadcast_in_dim3A = vector.shape_cast %rsqrt3A : vector<640x1xf32> to vector<640x1xf32>
    %broadcast_in_dim3A_22 = vector.broadcast %broadcast_in_dim3A : vector<640x1xf32> to vector<640x128xf32>
    %swap3A_23 = arith.constant 0 : index
    %swap3A_24 = arith.constant 0 : index
    %swap3A_25 = vector.load %arg5[%swap3A_23, %swap3A_24] : memref<640x128xf32, #tpu.memory_space<vmem>>, vector<640x128xf32>
    tpu.vector_store %arg5[%swap3A_23, %swap3A_24], %broadcast_in_dim3A_22 {strides = array<i32>} : memref<640x128xf32, #tpu.memory_space<vmem>>, vector<640x128xf32>,
    return
  }
  func.func @transform_0(%arg0: i32) -> (i32, i32, i32) {
    %c0_i32 = arith.constant 0 : i32
    %c0_i32_0 = arith.constant 0 : i32
    %c0_i32_1 = arith.constant 0 : i32
    return %c0_i32, %arg0, %c0_i32_0 : i32, i32, i32
  }
  func.func @transform_1(%arg0: i32) -> (i32, i32) {
    %c0_i32 = arith.constant 0 : i32
    %c0_i32_0 = arith.constant 0 : i32
    return %arg0, %c0_i32 : i32, i32
  }
  func.func @transform_2(%arg0: i32) -> (i32, i32) {
    %c0_i32 = arith.constant 0 : i32
    %c0_i32_0 = arith.constant 0 : i32
    %c0_i32_1 = arith.constant 0 : i32
    return %c0_i32, %c0_i32_0 : i32, i32
  }
  func.func @transform_3(%arg0: i32) -> (i32, i32) {
    %c0_i32 = arith.constant 0 : i32
    %c0_i32_0 = arith.constant 0 : i32
    return %arg0, %c0_i32 : i32, i32
  }
  func.func @transform_4(%arg0: i32) -> (i32, i32) {
    %c0_i32 = arith.constant 0 : i32
    %c0_i32_0 = arith.constant 0 : i32
    return %arg0, %c0_i32 : i32, i32
  }
}

module attributes {stable_mosaic.version = 14 : i64} {
  func.func @_tc2_body(%arg0: i32, %arg1: memref<2x640x128xf32, #tpu.memory_space<vmem>>, %arg2: memref<640x128xf32, #tpu.memory_space<vmem>>, %arg3: memref<640x128xf32, #tpu.memory_space<vmem>>, %arg4: memref<1x128xf32, #tpu.memory_space<vmem>>, %arg5: memref<128x128xf32, #tpu.memory_space<vmem>>, %arg6: memref<640x128xf32, #tpu.memory_space<vmem>>) attributes {dimension_semantics = [#tpu.dimension_semantics<arbitrary>], iteration_bounds = array<i64: 16>, scalar_prefetch = 0 : i64, scratch_operands = 0 : i64, tpu.core_type = #tpu.core_type<tc>, window_params = [{transform_indices = @transform_0, window_bounds = array<i64: 2, 640, 128>}, {transform_indices = @transform_1, window_bounds = array<i64: 640, 128>}, {transform_indices = @transform_2, window_bounds = array<i64: 640, 128>}, {pipeline_mode = #tpu.pipeline_mode<synchronous>, transform_indices = @transform_3, window_bounds = array<i64: 1, 128>}, {pipeline_mode = #tpu.pipeline_mode<synchronous>, transform_indices = @transform_4, window_bounds = array<i64: 128, 128>}, {transform_indices = @transform_5, window_bounds = array<i64: 640, 128>}]} {
    %get3A = arith.constant 0 : index
    %get3A_0 = arith.constant 0 : index
    %get3A_1 = arith.constant 0 : index
    %get3A_2 = vector.load %arg1[%get3A, %get3A_0, %get3A_1] : memref<2x640x128xf32, #tpu.memory_space<vmem>>, vector<1x640x128xf32>
    %get3A_3 = vector.shape_cast %get3A_2 : vector<1x640x128xf32> to vector<640x128xf32>
    %get3A_4 = arith.constant 1 : index
    %get3A_5 = arith.constant 0 : index
    %get3A_6 = arith.constant 0 : index
    %get3A_7 = vector.load %arg1[%get3A_4, %get3A_5, %get3A_6] : memref<2x640x128xf32, #tpu.memory_space<vmem>>, vector<1x640x128xf32>
    %get3A_8 = vector.shape_cast %get3A_7 : vector<1x640x128xf32> to vector<640x128xf32>
    %add3A = arith.addf %get3A_3, %get3A_8 : vector<640x128xf32>
    %get3A_9 = arith.constant 0 : index
    %get3A_10 = arith.constant 0 : index
    %get3A_11 = vector.load %arg2[%get3A_9, %get3A_10] : memref<640x128xf32, #tpu.memory_space<vmem>>, vector<640x128xf32>
    %add3A_12 = arith.addf %add3A, %get3A_11 : vector<640x128xf32>
    %get3A_13 = arith.constant 0 : index
    %get3A_14 = arith.constant 0 : index
    %get3A_15 = vector.load %arg3[%get3A_13, %get3A_14] : memref<640x128xf32, #tpu.memory_space<vmem>>, vector<640x128xf32>
    %mul3A = arith.mulf %add3A_12, %get3A_15 : vector<640x128xf32>
    %get3A_16 = arith.constant 0 : index
    %get3A_17 = arith.constant 0 : index
    %get3A_18 = vector.load %arg4[%get3A_16, %get3A_17] : memref<1x128xf32, #tpu.memory_space<vmem>>, vector<1x128xf32>
    %add3A_19 = vector.broadcast %get3A_18 : vector<1x128xf32> to vector<640x128xf32>
    %add3A_20 = arith.addf %mul3A, %add3A_19 : vector<640x128xf32>
    %max3A = arith.constant 0.000000e+00 : f32
    %max3A_21 = vector.broadcast %max3A : f32 to vector<640x128xf32>
    %max3A_22 = arith.maximumf %add3A_20, %max3A_21 : vector<640x128xf32>
    %get3A_23 = arith.constant 0 : index
    %get3A_24 = arith.constant 0 : index
    %get3A_25 = vector.load %arg5[%get3A_23, %get3A_24] : memref<128x128xf32, #tpu.memory_space<vmem>>, vector<128x128xf32>
    %dot_general3A = arith.constant dense<0.000000e+00> : vector<640x128xf32>
    %dot_general3A_26 = tpu.matmul %max3A_22, %get3A_25, %dot_general3A {dimension_numbers = #tpu.dot_dimension_numbers<[1], [0], [0], [1], [0, 0, 1, 1], [], []>, transpose_lhs_hint = false} : vector<640x128xf32>, vector<128x128xf32>, vector<640x128xf32> -> vector<640x128xf32>
    %get3A_27 = arith.constant 0 : index
    %get3A_28 = arith.constant 0 : index
    %get3A_29 = vector.load %arg3[%get3A_27, %get3A_28] : memref<640x128xf32, #tpu.memory_space<vmem>>, vector<640x128xf32>
    %mul3A_30 = arith.mulf %dot_general3A_26, %get3A_29 : vector<640x128xf32>
    %swap3A = arith.constant 0 : index
    %swap3A_31 = arith.constant 0 : index
    %swap3A_32 = vector.load %arg6[%swap3A, %swap3A_31] : memref<640x128xf32, #tpu.memory_space<vmem>>, vector<640x128xf32>
    tpu.vector_store %arg6[%swap3A, %swap3A_31], %mul3A_30 {strides = array<i32>} : memref<640x128xf32, #tpu.memory_space<vmem>>, vector<640x128xf32>,
    return
  }
  func.func @transform_0(%arg0: i32) -> (i32, i32, i32) {
    %c0_i32 = arith.constant 0 : i32
    %c0_i32_0 = arith.constant 0 : i32
    %c0_i32_1 = arith.constant 0 : i32
    return %c0_i32, %arg0, %c0_i32_0 : i32, i32, i32
  }
  func.func @transform_1(%arg0: i32) -> (i32, i32) {
    %c0_i32 = arith.constant 0 : i32
    %c0_i32_0 = arith.constant 0 : i32
    return %arg0, %c0_i32 : i32, i32
  }
  func.func @transform_2(%arg0: i32) -> (i32, i32) {
    %c0_i32 = arith.constant 0 : i32
    %c0_i32_0 = arith.constant 0 : i32
    return %arg0, %c0_i32 : i32, i32
  }
  func.func @transform_3(%arg0: i32) -> (i32, i32) {
    %c0_i32 = arith.constant 0 : i32
    %c0_i32_0 = arith.constant 0 : i32
    %c0_i32_1 = arith.constant 0 : i32
    return %c0_i32, %c0_i32_0 : i32, i32
  }
  func.func @transform_4(%arg0: i32) -> (i32, i32) {
    %c0_i32 = arith.constant 0 : i32
    %c0_i32_0 = arith.constant 0 : i32
    %c0_i32_1 = arith.constant 0 : i32
    return %c0_i32, %c0_i32_0 : i32, i32
  }
  func.func @transform_5(%arg0: i32) -> (i32, i32) {
    %c0_i32 = arith.constant 0 : i32
    %c0_i32_0 = arith.constant 0 : i32
    return %arg0, %c0_i32 : i32, i32
  }
}

module attributes {stable_mosaic.version = 14 : i64} {
  func.func @_tc3_body(%arg0: i32, %arg1: memref<2x640x128xf32, #tpu.memory_space<vmem>>, %arg2: memref<640x128xf32, #tpu.memory_space<vmem>>, %arg3: memref<640x128xf32, #tpu.memory_space<vmem>>, %arg4: memref<1x128xf32, #tpu.memory_space<vmem>>, %arg5: memref<640x128xf32, #tpu.memory_space<vmem>>) attributes {dimension_semantics = [#tpu.dimension_semantics<arbitrary>], iteration_bounds = array<i64: 16>, scalar_prefetch = 0 : i64, scratch_operands = 0 : i64, tpu.core_type = #tpu.core_type<tc>, window_params = [{transform_indices = @transform_0, window_bounds = array<i64: 2, 640, 128>}, {transform_indices = @transform_1, window_bounds = array<i64: 640, 128>}, {transform_indices = @transform_2, window_bounds = array<i64: 640, 128>}, {pipeline_mode = #tpu.pipeline_mode<synchronous>, transform_indices = @transform_3, window_bounds = array<i64: 1, 128>}, {transform_indices = @transform_4, window_bounds = array<i64: 640, 128>}]} {
    %get3A = arith.constant 0 : index
    %get3A_0 = arith.constant 0 : index
    %get3A_1 = arith.constant 0 : index
    %get3A_2 = vector.load %arg1[%get3A, %get3A_0, %get3A_1] : memref<2x640x128xf32, #tpu.memory_space<vmem>>, vector<1x640x128xf32>
    %get3A_3 = vector.shape_cast %get3A_2 : vector<1x640x128xf32> to vector<640x128xf32>
    %get3A_4 = arith.constant 1 : index
    %get3A_5 = arith.constant 0 : index
    %get3A_6 = arith.constant 0 : index
    %get3A_7 = vector.load %arg1[%get3A_4, %get3A_5, %get3A_6] : memref<2x640x128xf32, #tpu.memory_space<vmem>>, vector<1x640x128xf32>
    %get3A_8 = vector.shape_cast %get3A_7 : vector<1x640x128xf32> to vector<640x128xf32>
    %add3A = arith.addf %get3A_3, %get3A_8 : vector<640x128xf32>
    %get3A_9 = arith.constant 0 : index
    %get3A_10 = arith.constant 0 : index
    %get3A_11 = vector.load %arg2[%get3A_9, %get3A_10] : memref<640x128xf32, #tpu.memory_space<vmem>>, vector<640x128xf32>
    %add3A_12 = arith.addf %add3A, %get3A_11 : vector<640x128xf32>
    %get3A_13 = arith.constant 0 : index
    %get3A_14 = arith.constant 0 : index
    %get3A_15 = vector.load %arg3[%get3A_13, %get3A_14] : memref<640x128xf32, #tpu.memory_space<vmem>>, vector<640x128xf32>
    %mul3A = arith.mulf %add3A_12, %get3A_15 : vector<640x128xf32>
    %get3A_16 = arith.constant 0 : index
    %get3A_17 = arith.constant 0 : index
    %get3A_18 = vector.load %arg4[%get3A_16, %get3A_17] : memref<1x128xf32, #tpu.memory_space<vmem>>, vector<1x128xf32>
    %add3A_19 = vector.broadcast %get3A_18 : vector<1x128xf32> to vector<640x128xf32>
    %add3A_20 = arith.addf %mul3A, %add3A_19 : vector<640x128xf32>
    %max3A = arith.constant 0.000000e+00 : f32
    %max3A_21 = vector.broadcast %max3A : f32 to vector<640x128xf32>
    %max3A_22 = arith.maximumf %add3A_20, %max3A_21 : vector<640x128xf32>
    %swap3A = arith.constant 0 : index
    %swap3A_23 = arith.constant 0 : index
    %swap3A_24 = vector.load %arg5[%swap3A, %swap3A_23] : memref<640x128xf32, #tpu.memory_space<vmem>>, vector<640x128xf32>
    tpu.vector_store %arg5[%swap3A, %swap3A_23], %max3A_22 {strides = array<i32>} : memref<640x128xf32, #tpu.memory_space<vmem>>, vector<640x128xf32>,
    return
  }
  func.func @transform_0(%arg0: i32) -> (i32, i32, i32) {
    %c0_i32 = arith.constant 0 : i32
    %c0_i32_0 = arith.constant 0 : i32
    %c0_i32_1 = arith.constant 0 : i32
    return %c0_i32, %arg0, %c0_i32_0 : i32, i32, i32
  }
  func.func @transform_1(%arg0: i32) -> (i32, i32) {
    %c0_i32 = arith.constant 0 : i32
    %c0_i32_0 = arith.constant 0 : i32
    return %arg0, %c0_i32 : i32, i32
  }
  func.func @transform_2(%arg0: i32) -> (i32, i32) {
    %c0_i32 = arith.constant 0 : i32
    %c0_i32_0 = arith.constant 0 : i32
    return %arg0, %c0_i32 : i32, i32
  }
  func.func @transform_3(%arg0: i32) -> (i32, i32) {
    %c0_i32 = arith.constant 0 : i32
    %c0_i32_0 = arith.constant 0 : i32
    %c0_i32_1 = arith.constant 0 : i32
    return %c0_i32, %c0_i32_0 : i32, i32
  }
  func.func @transform_4(%arg0: i32) -> (i32, i32) {
    %c0_i32 = arith.constant 0 : i32
    %c0_i32_0 = arith.constant 0 : i32
    return %arg0, %c0_i32 : i32, i32
  }
}

</mosaic_0001>

<sc_bundles>
// kernel: kernel.11.cloned.1.call-start
scs
__scs_entry_jumppad:
0x0: {  	(pc) =	sbr.rel $0x88, $3  }
0x1: {  	(tag) =	ssettag $0x0;
	lr =	simm.s32 $0x1  }
0x2: {  	[smem:$0x3F9B] =	sst lr;
	_ =	strace $0xD0000000  }
0x3: {  	_ = 	snop  }
0x4: {  	_ = 	snop  }
0x5: {  	_ = 	snop  }
0x6: {  	_ = 	snop  }
0x7: {  	_ = 	snop  }
__scs_overlays_trampoline_lowered:
0x8: {  	[smem:$0x3FAA] =	sst s0  }
0x9: {  	[smem:$0x3FAB] =	sst s1  }
0xa: {  	[smem:$0x3FAC] =	sst s2  }
0xb: {  	[smem:$0x3FAD] =	sst s3  }
0xc: {  	[smem:$0x3FAE] =	sst s4  }
0xd: {  	[smem:$0x3FAF] =	sst s5  }
0xe: {  	[smem:$0x3FB0] =	sst s6  }
0xf: {  	[smem:$0x3FB1] =	sst s7  }
0x10: {  	[smem:$0x3FB2] =	sst s8  }
0x11: {  	[smem:$0x3FB3] =	sst s9;
	s0 =	simm.s32 @!p0 $0x0  }
0x12: {  	s1 =	sld [smem:$0x3F99];
	s0 =	simm.s32 @p0 $0x1  }
0x13: {  	[smem:$0x3FB4] =	sst s0;
	s0 =	simm.s32 @!p1 $0x0  }
0x14: {  	s2 =	sld [smem:$0x3F98];
	s0 =	simm.s32 @p1 $0x1  }
0x15: {  	[smem:$0x3FB5] =	sst s0;
	s0 =	simm.s32 @!p2 $0x0  }
0x16: {  	s3 =	sld [smem:$0x3FDB];
	s0 =	simm.s32 @p2 $0x1  }
0x17: {  	s4 =	simm.s32 $0x1BF5;
	[smem:$0x3FB7] =	sst s0  }
0x18: {  	s0 =	sld [smem:$0x3F9A];
	_ =	swait.ge [sflag:s4], $0x0  }
0x19: {  	s7 =	sld [smem:$0x3F9B]  }
0x1a: {  	s8 =	sadd.s32 $0xFFFFE003, lr  }
0x1b: {  	s9 =	sadd.s32 $0xFFFFFEF7, lr;
	s5 =	simm.s32 $0xFFFFFFFF;
	p2 =	slt.u32 s8, $0xFFFFF086  }
0x1c: {  	p1 =	slt.u32 s9, $0xF7A;
	s5 =	simm.s32 @!p2 $0x0  }
0x1d: {  	s5 =	simm.s32 @p1 $0x1;
	p0 =	seq.s32 s7, s2  }
0x1e: {  	s7 =	smul.u32 @!p0 $0xF7A, s2;
	p2 =	seq.s32 @!p0 s5, $0x0  }
0x1f: {  	s9 =	smul.u32 $0xF7A, s1;
	s8 =	simm.s32 @!p0 $0x1BF5;
	p2 =	por !p2, p0  }
0x20: {  	[sflag:s8] =	ssyncset.s32 @!p0 $0xFFFFF086;
	s6 =	sadd.s32 @!p0 s3, s7;
	s7 =	simm.s32 @!p0 $0x108  }
0x21: {  	s3 =	sadd.s32 s3, s9;
	s6 =	sadd.s32 @!p0 $0x88, s6;
	s7 =	simm.s32 @p2 $0x1082  }
0x22: {  	[simem:s7], [sflag:s8] =	dma.local @!p0 [hbm:s6], $0xF7A  }
0x23: {  	s9 =	sor.u32 $0xD0000000, s2;
	s6 =	simm.s32 $0x108;
	_ =	swait.ge @!p0 [sflag:s8], $0x0  }
0x24: {  	s3 =	sadd.s32 $0x88, s3;
	s6 =	simm.s32 @!p1 $0x1082;
	[sflag:s4] =	ssyncset.s32 $0xFFFFF086  }
0x25: {  	[simem:s6], [sflag:s4] =	dma.local [hbm:s3], $0xF7A  }
0x26: {  	[smem:$0x3F9B] =	sst s1;
	(tag) =	ssettag s2;
	_ =	strace s9  }
0x27: {  	s1 =	sld [smem:$0x3FAB]  }
0x28: {  	s2 =	sld [smem:$0x3FAC]  }
0x29: {  	s4 =	sld [smem:$0x3FAE]  }
0x2a: {  	p0 =	seq.s32 s5, $0x0;
	s5 =	sld [smem:$0x3FAF]  }
0x2b: {  	s6 =	sld [smem:$0x3FB0]  }
0x2c: {  	s7 =	sld [smem:$0x3FB1]  }
0x2d: {  	s3 =	simm.s32 $0x108;
	s8 =	sld [smem:$0x3FB2]  }
0x2e: {  	s3 =	simm.s32 @!p0 $0x1082;
	s9 =	sld [smem:$0x3FB3]  }
0x2f: {  	lr =	sadd.s32 s0, s3;
	s0 =	sld [smem:$0x3FAA]  }
0x30: {  	s3 =	sld [smem:$0x3FAD]  }
0x31: {  	[smem:$0x3FB6] =	sst s10  }
0x32: {  	s10 =	sld [smem:$0x3FB4];
	_ =	sdelay $0x3  }
0x33: {  	p0 =	seq.s32 s10, $0x1;
	s10 =	sld [smem:$0x3FB6];
	_ =	sdelay $0x3  }
0x34: {  	[smem:$0x3FB6] =	sst s10  }
0x35: {  	s10 =	sld [smem:$0x3FB5];
	_ =	sdelay $0x3  }
0x36: {  	p1 =	seq.s32 s10, $0x1;
	s10 =	sld [smem:$0x3FB6];
	_ =	sdelay $0x3  }
0x37: {  	[smem:$0x3FB6] =	sst s10  }
0x38: {  	s10 =	sld [smem:$0x3FB7]  }
0x39: {  	_ = 	snop;
	(pc) =	sbr.ind lr, $3  }
0x3a: {  	_ = 	snop  }
0x3b: {  	_ = 	snop  }
0x3c: {  	p2 =	seq.s32 s10, $0x1;
	s10 =	sld [smem:$0x3FB6]  }
0x3d: {  	_ =	shalt  }
0x3e: {  	_ =	shalt  }
0x3f: {  	_ =	shalt  }
0x40: {  	_ =	shalt  }
0x41: {  	_ =	shalt  }
0x42: {  	_ =	shalt  }
0x43: {  	_ =	shalt  }
0x44: {  	_ =	shalt  }
0x45: {  	_ =	shalt  }
0x46: {  	_ =	shalt  }
0x47: {  	_ =	shalt  }
0x48: {  	_ =	shalt  }
0x49: {  	_ =	shalt  }
0x4a: {  	_ =	shalt  }
0x4b: {  	_ =	shalt  }
0x4c: {  	_ =	shalt  }
0x4d: {  	_ =	shalt  }
0x4e: {  	_ =	shalt  }
0x4f: {  	_ =	shalt  }
0x50: {  	_ =	shalt  }
0x51: {  	_ =	shalt  }
0x52: {  	_ =	shalt  }
0x53: {  	_ =	shalt  }
0x54: {  	_ =	shalt  }
0x55: {  	_ =	shalt  }
0x56: {  	_ =	shalt  }
0x57: {  	_ =	shalt  }
0x58: {  	_ =	shalt  }
0x59: {  	_ =	shalt  }
0x5a: {  	_ =	shalt  }
0x5b: {  	_ =	shalt  }
0x5c: {  	_ =	shalt  }
0x5d: {  	_ =	shalt  }
0x5e: {  	_ =	shalt  }
0x5f: {  	_ =	shalt  }
0x60: {  	_ =	shalt  }
0x61: {  	_ =	shalt  }
0x62: {  	_ =	shalt  }
0x63: {  	_ =	shalt  }
0x64: {  	_ =	shalt  }
0x65: {  	_ =	shalt  }
0x66: {  	_ =	shalt  }
0x67: {  	_ =	shalt  }
0x68: {  	_ =	shalt  }
0x69: {  	_ =	shalt  }
0x6a: {  	_ =	shalt  }
0x6b: {  	_ =	shalt  }
0x6c: {  	_ =	shalt  }
0x6d: {  	_ =	shalt  }
0x6e: {  	_ =	shalt  }
0x6f: {  	_ =	shalt  }
0x70: {  	_ =	shalt  }
0x71: {  	_ =	shalt  }
0x72: {  	_ =	shalt  }
0x73: {  	_ =	shalt  }
0x74: {  	_ =	shalt  }
0x75: {  	_ =	shalt  }
0x76: {  	_ =	shalt  }
0x77: {  	_ =	shalt  }
0x78: {  	_ =	shalt  }
0x79: {  	_ =	shalt  }
0x7a: {  	_ =	shalt  }
0x7b: {  	_ =	shalt  }
0x7c: {  	_ =	shalt  }
0x7d: {  	_ =	shalt  }
0x7e: {  	_ =	shalt  }
0x7f: {  	_ =	shalt  }
0x80: {  	_ =	shalt  }
0x81: {  	_ =	shalt  }
0x82: {  	_ =	shalt  }
0x83: {  	_ =	shalt  }
0x84: {  	_ =	shalt  }
0x85: {  	_ =	shalt  }
0x86: {  	_ =	shalt  }
0x87: {  	_ =	shalt  }
.Lfunc_end0:
.L_simem_size_0:
called_computation.1_lowered:
.L_overlay_start_0:
0x88: {  	s2 =	sld [smem:$0x3FD9]  }
0x89: {  	s3 =	sld [smem:$0x3FFE];
	_ =	sdelay $0x1  }
0x8a: {  	s1 =	srdreg.scid  }
0x8b: {  	s0 =	sand.u32 $0x1, s1  }
0x8c: {  	s17 =	sshll.u32 s0, $0xA;
	s2 =	sadd.s32 s3, s2  }
0x8d: {  	s2 =	sadd.s32 s2, s17  }
0x8e: {  	[smem:$0x3FC2] =	sst s2  }
0x8f: {  	_ = 	snop  }
0x90: {  	s2 =	sld [smem:$0x3FD0];
	(tm) =	ssettm $0x1  }
0x91: {  	s18 =	sld [smem:$0x3FFB];
	_ =	sdelay $0x3  }
0x92: {  	_ =	strace s18  }
0x93: {  	s3 =	sld [smem:$0x3FFC];
	_ =	sdelay $0x3  }
0x94: {  	_ =	strace s3  }
0x95: {  	s3 =	sld [smem:$0x3FFD];
	_ =	sdelay $0x3  }
0x96: {  	_ =	strace s3  }
0x97: {  	_ =	strace $0x8FFFFFFF  }
0x98: {  	s19 =	sld [smem:$0x3FDB];
	_ =	sdelay $0x1  }
0x99: {  	s4 =	simm.s32 $_scs_section_size  }
0x9a: {  	s5 =	simm.s32 $_size__tile_overlayer_lowered;
	s6 =	simm.s32 $_tile_overlayer_lowered  }
0x9b: {  	s22 =	simm.s32 $0x1BFF;
	s21 =	sshll.u32 s6, $0x1;
	s3 =	sadd.s32 s4, s19  }
0x9c: {  	s7 =	simm.s32 $0x0;
	s20 =	sshll.u32 s5, $0x1;
	s5 =	sadd.s32 s21, s3  }
0x9d: {  	[timem:s7], [sflag:s22] =	dma.local [hbm:s5], s20  }
0x9e: {  	_ =	swait.ge [sflag:s22], s20  }
0x9f: {  	s4 =	ssub.s32 $0x0, s20;
	[sflag:s22] =	ssyncset.done $0x0  }
0xa0: {  	[sflag:s22] =	ssyncadd.s32 s4;
	_ =	sdelay $0x1  }
0xa1: {  	s23 =	simm.s32 $0x1B8B  }
0xa2: {  	_ =	swait.ge [sflag:s23], $0x1  }
0xa3: {  	[sflag:s23] =	ssyncset.done $0x0  }
0xa4: {  	s25 =	simm.s32 $0x1B8E;
	s24 =	sld [smem:$0x3FFE];
	[sflag:s23] =	ssyncadd.s32 $0xFFFFFFFF  }
0xa5: {  	s26 =	simm.s32 $execute0_lowered;
	[smem:$0x3FD2] =	sst s25  }
0xa6: {  	s5 =	sshll.u32 s26, $0x1;
	_ =	strace $0x80000049;
	[dreg:$0x1] =	wrdreg $0xFFFFFFFF  }
0xa7: {  	s28 =	simm.s32 $_size_execute0_lowered;
	s3 =	sadd.s32 s3, s5;
	[dreg:$0x0] =	wrdreg $0x0  }
0xa8: {  	s5 =	sshll.u32 s28, $0x1;
	[dreg:$0x2] =	wrdreg s3  }
0xa9: {  	[dreg:$0x3] =	wrdreg s5  }
0xaa: {  	[dreg:$0x4] =	wrdreg $0xC0  }
0xab: {  	_ =	task [dreg:s7], $0x5FFFF  }
0xac: {  	[dreg:$0x1] =	wrdreg $0xFFFFFFFF  }
0xad: {  	[dreg:$0x0] =	wrdreg $0x60  }
0xae: {  	[dreg:$0x2] =	wrdreg s24  }
0xaf: {  	[dreg:$0x3] =	wrdreg s2  }
0xb0: {  	[dreg:$0x4] =	wrdreg $0x0  }
0xb1: {  	[dreg:$0x5] =	wrdreg $0x9  }
0xb2: {  	_ =	task.clear_ibuf [dreg:s7], $0x6FFFF;
	_ =	strace $0x90000049  }
0xb3: {  	s29 =	simm.s32 $0x9;
	_ =	strace $0x8000004B  }
0xb4: {  	_ =	swait.ge [sflag:s29], $0x1  }
0xb5: {  	[sflag:s29] =	ssyncadd.s32 $0xFFFFFFFF  }
0xb6: {  	_ =	strace $0x9000004B  }
0xb7: {  	_ =	sfence  }
0xb8: {  	s30 =	sld [smem:$0x0];
	_ =	sdelay $0x2  }
0xb9: {  	s31 =	sshll.u32 s1, $0xD;
	s1 =	sshrl.u32 s1, $0x2  }
0xba: {  	s3 =	sand.u32 $0x4000, s31;
	s1 =	sadd.s32 s1, s30  }
0xbb: {  	s0 =	sor.u32 s3, s0;
	s1 =	sshll.u32 s1, $0x11  }
0xbc: {  	s0 =	sor.u32 s1, s0  }
0xbd: {  	s0 =	sadd.s32 $0x8F2B, s0  }
0xbe: {  	[sflag:s0] =	ssyncadd.remote.s32 $0x1  }
0xbf: {  	_ =	sfence.sel $0xFFFF  }
0xc0: {  	[dreg:$0x0] =	wrdreg $0xFFFFFFFF;
	(pc) =	sbr.abs _section_cstart, $3  }
0xc1: {  	[dreg:$0x1] =	wrdreg $0xFFFFFFFF  }
0xc2: {  	_ =	task.clear_ibuf [dreg:s7], $0x2FFFF;
	_ =	strace $0x9FFFFFFF  }
0xc3: {  	(tm) =	ssettm $0x7FFFFFFF  }
tec
execute0_lowered:
.L_overlay_start_1:
0x0: {  	(tag) =	ssettag $0x1  }
0x1: {  	s6 =	rddreg [dreg:$0x0]  }
0x2: {  	s12 =	rddreg [dreg:$0x1]  }
0x3: {  	s1 =	rddreg [dreg:$0x2];
	s2 =	srdreg.scid  }
0x4: {  	s3 =	simm.s32 $0x0;
	s0 =	stileid.u32;
	s28 =	simm.s32 $0x18100  }
0x5: {  	s29 =	simm.s32 $0x0;
	s7 =	sand.u32 $0x1, s2;
	s9 =	smul.u32 $0x14000, s0  }
0x6: {  	[smem:$0x7FF] =	sst s3;
	s4 =	sadd.s32 $0xBC00, s6;
	s10 =	smul.u32 $0x50000, s0  }
0x7: {  	s11 =	sadd.s32 $0x1E00, s6;
	s5 =	sadd.s32 $0x33C00, s6;
	s24 =	smul.u32 $0x4E20, s0  }
0x8: {  	s19 =	sshll.u32 s0, $0x1;
	s22 =	sshll.u32 s0, $0x6;
	s8 =	smul.u32 $0x140000, s7  }
0x9: {  	_ =	strace $0x8000004A;
	s17 =	ssub.s32 $0x2, s7;
	s20 =	sor.u32 s7, s19  }
0xa: {  	s26 =	smul.u32 $0x2710, s7;
	s18 =	sshrl.u32 s17, $0x1;
	s21 =	sshrl.u32 s10, $0x2  }
0xb: {  	s23 =	smul.u32 $0x2710, s20;
	s8 =	sadd.s32 s9, s8;
	s14 =	ssub.s32 s17, s18  }
0xc: {  	s15 =	sadd.s32 s21, s1;
	s20 =	sadd.s32 s26, s24;
	s21 =	simm.s32 $0x80  }
0xd: {  	s24 =	simm.s32 $0x18900;
	s26 =	simm.s32 $0x10;
	s8 =	sshrl.u32 s8, $0x3  }
0xe: {  	s16 =	sadd.s32 $0x4000, s15;
	s17 =	sadd.s32 $0x8000, s15;
	s25 =	sshrl.u32 s23, $0x3  }
0xf: {  	s18 =	sadd.s32 $0xC000, s15;
	s19 =	sadd.s32 $0x10000, s15;
	s10 =	smax.u32 s14, $0x1  }
0x10: {  	s31 =	sshrl.u32 s20, $0x3;
	s14 =	simm.s32 $0x2;
	s20 =	simm.s32 $0x18080  }
0x11: {  	s23 =	simm.s32 $0x1;
	s13 =	sadd.s32 s8, s6;
	s6 =	sor.u32 $0x1C02, s22  }
0x12: {  	s8 =	sadd.s32 $0x4E0, s25;
	s22 =	simm.s32 $0x14000;
	s25 =	simm.s32 $0x18980  }
0x13: {  	s30 =	sadd.s32 s12, s8;
	s8 =	sadd.s32 s11, s8;
	s9 =	sadd.s32 $0x34400, s13  }
0x14: {  	s11 =	sadd.s32 s31, s11;
	s12 =	sadd.s32 s31, s12;
	s13 =	sshrl.u32 s15, $0x3  }
0x15: {  	s15 =	sshrl.u32 s16, $0x3;
	s16 =	sshrl.u32 s17, $0x3;
	s17 =	sshrl.u32 s18, $0x3  }
0x16: {  	s18 =	sshrl.u32 s19, $0x3;
	s19 =	simm.s32 $0x18000;
	[dreg:$0x4] =	wrdreg s30  }
.LBB2_1:
0x17: {  	[spmem:s13], [sflag:s6] =	dma.local [hbm:s5], $0x800  }
0x18: {  	_ =	swait.ge [sflag:s14], $0x800  }
0x19: {  	[sflag:s14] =	ssyncset.done $0x0  }
0x1a: {  	[sflag:s14] =	ssyncadd.s32 $0xFFFFF800  }
0x1b: {  	[spmem:s15], [sflag:s6] =	dma.local [hbm:s5], $0x800  }
0x1c: {  	_ =	swait.ge [sflag:s14], $0x800  }
0x1d: {  	[sflag:s14] =	ssyncset.done $0x0  }
0x1e: {  	[sflag:s14] =	ssyncadd.s32 $0xFFFFF800  }
0x1f: {  	[spmem:s16], [sflag:s6] =	dma.local [hbm:s5], $0x800  }
0x20: {  	_ =	swait.ge [sflag:s14], $0x800  }
0x21: {  	[sflag:s14] =	ssyncset.done $0x0  }
0x22: {  	[sflag:s14] =	ssyncadd.s32 $0xFFFFF800  }
0x23: {  	[spmem:s17], [sflag:s6] =	dma.local [hbm:s5], $0x800  }
0x24: {  	_ =	swait.ge [sflag:s14], $0x800  }
0x25: {  	[sflag:s14] =	ssyncset.done $0x0  }
0x26: {  	[sflag:s14] =	ssyncadd.s32 $0xFFFFF800  }
0x27: {  	[spmem:s18], [sflag:s6] =	dma.local [hbm:s5], $0x800  }
0x28: {  	_ =	swait.ge [sflag:s14], $0x800  }
0x29: {  	[sflag:s14] =	ssyncset.done $0x0  }
0x2a: {  	[sflag:s14] =	ssyncadd.s32 $0xFFFFF800  }
0x2b: {  	s30 =	sadd.s32 $0x0, s12;
	[bflag:$0x0] =	sbarrier.arrive $0xFFFF  }
0x2c: {  	[tilespmem:s19], [sflag:$0x2] =	stream.linear.gather [hbm4b:s30+s3], $0x80, $0x38;
	[tilespmem:$0x18A00] =	vst v63  }
0x2d: {  	_ =	swait.ge [sflag:s14], $0x80  }
0x2e: {  	[sflag:s14] =	ssyncset.done $0x0  }
0x2f: {  	s30 =	sadd.s32 $0x0, s11;
	[sflag:s14] =	ssyncadd.s32 $0xFFFFFF80  }
0x30: {  	[tilespmem:s20], [sflag:$0x2] =	stream.linear.gather [hbm4b:s30+s3], $0x80, $0x38;
	[tilespmem:$0x18A00] =	vst v63  }
0x31: {  	_ =	swait.ge [sflag:s14], $0x80  }
0x32: {  	[sflag:s14] =	ssyncset.done $0x0  }
0x33: {  	[sflag:s14] =	ssyncadd.s32 $0xFFFFFF80  }
0x34: {  	[tilespmem:s22], [sflag:$0x1] =	stream.indirect.gather [hbm4b:s4+s21], $0x80, s19, s21, $0xb8;
	[tilespmem:$0x18A00] =	vst v63  }
0x35: {  	_ =	swait.ge [sflag:s23], $0x4000  }
0x36: {  	[sflag:s23] =	ssyncset.done $0x0  }
0x37: {  	[sflag:s23] =	ssyncadd.s32 $0xFFFFC000  }
0x38: {  	[spmem:s1] =	stream.indirect.scatter.add.f32 [tilespmem:s22], [sflag:$0x2], $0x80, s20, s21, $0xb8;
	[tilespmem:$0x18A00] =	vst v63  }
0x39: {  	_ =	swait.ge [sflag:s14], $0x4000  }
0x3a: {  	s31 =	simm.s32 $0x20;
	s30 =	simm.s32 $0x10;
	[sflag:s14] =	ssyncset.done $0x0  }
.LBB2_2:
0x3b: {  	s0 =	sadd.s32 s30, s12  }
0x3c: {  	[sflag:s14] =	ssyncadd.s32 $0xFFFFC000;
	s2 =	smov.u32 s31;
	s7 =	sadd.s32 $0x10, s31  }
0x3d: {  	[tilespmem:s19], [sflag:$0x2] =	stream.linear.gather [hbm4b:s0+s3], $0x80, $0x38;
	[tilespmem:$0x18A00] =	vst v63  }
0x3e: {  	p0 =	sne.s32 s31, $0x4D0;
	_ =	swait.ge [sflag:s14], $0x80  }
0x3f: {  	[sflag:s14] =	ssyncset.done $0x0  }
0x40: {  	s0 =	sadd.s32 s30, s11;
	s30 =	smov.u32 s2;
	[sflag:s14] =	ssyncadd.s32 $0xFFFFFF80  }
0x41: {  	[tilespmem:s20], [sflag:$0x2] =	stream.linear.gather [hbm4b:s0+s3], $0x80, $0x38;
	[tilespmem:$0x18A00] =	vst v63  }
0x42: {  	_ =	swait.ge [sflag:s14], $0x80  }
0x43: {  	[sflag:s14] =	ssyncset.done $0x0  }
0x44: {  	[sflag:s14] =	ssyncadd.s32 $0xFFFFFF80  }
0x45: {  	[tilespmem:s22], [sflag:$0x1] =	stream.indirect.gather [hbm4b:s4+s21], $0x80, s19, s21, $0xb8;
	[tilespmem:$0x18A00] =	vst v63  }
0x46: {  	_ =	swait.ge [sflag:s23], $0x4000  }
.Ltmp0:
0x47: {  	[sflag:s23] =	ssyncset.done $0x0;
	(pc) =	sbr.rel @p0 .LBB2_2-.Ltmp0, $4  }
0x48: {  	[sflag:s23] =	ssyncadd.s32 $0xFFFFC000  }
0x49: {  	[spmem:s1] =	stream.indirect.scatter.add.f32 [tilespmem:s22], [sflag:$0x2], $0x80, s20, s21, $0xb8;
	[tilespmem:$0x18A00] =	vst v63  }
0x4a: {  	_ =	swait.ge [sflag:s14], $0x4000  }
0x4b: {  	s31 =	smov.u32 s7;
	[sflag:s14] =	ssyncset.done $0x0  }
0x4c: {  	s0 =	sadd.s32 s30, s12;
	[sflag:s14] =	ssyncadd.s32 $0xFFFFC000  }
0x4d: {  	[tilespmem:s19], [sflag:$0x2] =	stream.linear.gather [hbm4b:s0+s3], $0x80, $0x38;
	[tilespmem:$0x18A00] =	vst v63  }
0x4e: {  	_ =	swait.ge [sflag:s14], $0x80  }
0x4f: {  	[sflag:s14] =	ssyncset.done $0x0  }
0x50: {  	s30 =	sadd.s32 s30, s11;
	[sflag:s14] =	ssyncadd.s32 $0xFFFFFF80  }
0x51: {  	[tilespmem:s20], [sflag:$0x2] =	stream.linear.gather [hbm4b:s30+s3], $0x80, $0x38;
	[tilespmem:$0x18A00] =	vst v63  }
0x52: {  	_ =	swait.ge [sflag:s14], $0x80  }
0x53: {  	[sflag:s14] =	ssyncset.done $0x0  }
0x54: {  	[sflag:s14] =	ssyncadd.s32 $0xFFFFFF80  }
0x55: {  	[tilespmem:s22], [sflag:$0x1] =	stream.indirect.gather [hbm4b:s4+s21], $0x80, s19, s21, $0xb8;
	[tilespmem:$0x18A00] =	vst v63  }
0x56: {  	_ =	swait.ge [sflag:s23], $0x4000  }
0x57: {  	[sflag:s23] =	ssyncset.done $0x0  }
0x58: {  	[sflag:s23] =	ssyncadd.s32 $0xFFFFC000  }
0x59: {  	[spmem:s1] =	stream.indirect.scatter.add.f32 [tilespmem:s22], [sflag:$0x2], $0x80, s20, s21, $0xb8;
	[tilespmem:$0x18A00] =	vst v63  }
0x5a: {  	_ =	swait.ge [sflag:s14], $0x4000  }
0x5b: {  	[sflag:s14] =	ssyncset.done $0x0  }
0x5c: {  	s31 =	rddreg [dreg:$0x4];
	[sflag:s14] =	ssyncadd.s32 $0xFFFFC000  }
0x5d: {  	[tilespmem:s24], [sflag:$0x2] =	stream.linear.gather [hbm4b:s31+s3], $0x10, $0x38;
	[tilespmem:$0x18A00] =	vst v63  }
0x5e: {  	_ =	swait.ge [sflag:s14], $0x10  }
0x5f: {  	[sflag:s14] =	ssyncset.done $0x0  }
0x60: {  	[sflag:s14] =	ssyncadd.s32 $0xFFFFFFF0  }
0x61: {  	[tilespmem:s25], [sflag:$0x2] =	stream.linear.gather [hbm4b:s8+s3], $0x10, $0x38;
	[tilespmem:$0x18A00] =	vst v63  }
0x62: {  	_ =	swait.ge [sflag:s14], $0x10  }
0x63: {  	[sflag:s14] =	ssyncset.done $0x0  }
0x64: {  	[sflag:s14] =	ssyncadd.s32 $0xFFFFFFF0  }
0x65: {  	[tilespmem:s28], [sflag:$0x1] =	stream.indirect.gather [hbm4b:s4+s26], $0x80, s24, s26, $0xb8;
	[tilespmem:$0x18A00] =	vst v63  }
0x66: {  	_ =	swait.ge [sflag:s23], $0x800  }
0x67: {  	[sflag:s23] =	ssyncset.done $0x0  }
0x68: {  	[sflag:s23] =	ssyncadd.s32 $0xFFFFF800  }
0x69: {  	[spmem:s1] =	stream.indirect.scatter.add.f32 [tilespmem:s28], [sflag:$0x2], $0x80, s25, s26, $0xb8;
	[tilespmem:$0x18A00] =	vst v63  }
0x6a: {  	_ =	swait.ge [sflag:s14], $0x800  }
0x6b: {  	s29 =	sadd.s32 $0x1, s29;
	[sflag:s14] =	ssyncset.done $0x0  }
0x6c: {  	p0 =	sne.s32 s29, s10;
	[sflag:s14] =	ssyncadd.s32 $0xFFFFF800  }
.Ltmp1:
0x6d: {  	[bflag:$0x0] =	sbarrier.arrive $0xFFFF;
	(pc) =	sbr.rel @p0 .LBB2_1-.Ltmp1, $4  }
0x6e: {  	[hbm:s9], [sflag:s6] =	dma.local [spmem:s13], $0x2800  }
0x6f: {  	_ =	swait.ge [sflag:s14], $0x2800  }
0x70: {  	[sflag:s14] =	ssyncset.done $0x0  }
0x71: {  	[sflag:s14] =	ssyncadd.s32 $0xFFFFD800  }
0x72: {  	_ =	sfence.sel $0x180000  }
0x73: {  	[bflag:$0x0] =	sbarrier.arrive $0xFFFF  }
0x74: {  	_ =	strace $0x9000004A  }
0x75: {  	s0 =	stileid.u32;
	[bflag:$0x2] =	sbarrier.arrive $0xFFFF  }
0x76: {  	p0 =	sne.s32 s0, $0x0;
	s0 =	rddreg [dreg:$0x3]  }
0x77: {  	s0 =	sadd.s32 @!p0 $0x100000, s0  }
0x78: {  	[sflag:s0] =	ssyncadd.tile.s32 @!p0 $0x1;
	_ =	shalt  }
.Lfunc_end2:
_tile_overlayer_lowered:
.L_overlay_start_2:
0x79: {  	(tag) =	ssettag $0x2  }
0x7a: {  	s0 =	rddreg [dreg:$0x0];
	s2 =	stileid.u32  }
0x7b: {  	s1 =	rddreg [dreg:$0x1];
	p0 =	sne.s32 s2, $0x0  }
0x7c: {  	s3 =	rddreg [dreg:$0x2];
	[bflag:$0x3] =	sbarrier.arrive $0xFFFF;
	s2 =	simm.s32 @!p0 $0x1C02  }
0x7d: {  	[timem:s3], [sflag:s2] =	dma.local @!p0 [hbm:s0], s1  }
0x7e: {  	s0 =	simm.s32 @!p0 $0x2  }
0x7f: {  	_ =	swait.ge @!p0 [sflag:s0], s1  }
0x80: {  	s1 =	ssub.s32 @!p0 $0x0, s1;
	[sflag:s0] =	ssyncset.done @!p0 $0x0  }
0x81: {  	[sflag:s0] =	ssyncadd.s32 @!p0 s1  }
0x82: {  	[bflag:$0x3] =	sbarrier.arrive $0xFFFF  }
0x83: {  	_ =	shalt  }

// kernel: kernel.14.cloned.1.call-start
scs
__scs_entry_jumppad:
0x0: {  	(pc) =	sbr.rel $0x88, $3  }
0x1: {  	(tag) =	ssettag $0x0;
	lr =	simm.s32 $0x1  }
0x2: {  	[smem:$0x3F9B] =	sst lr;
	_ =	strace $0xD0000000  }
0x3: {  	_ = 	snop  }
0x4: {  	_ = 	snop  }
0x5: {  	_ = 	snop  }
0x6: {  	_ = 	snop  }
0x7: {  	_ = 	snop  }
__scs_overlays_trampoline_lowered:
0x8: {  	[smem:$0x3FAA] =	sst s0  }
0x9: {  	[smem:$0x3FAB] =	sst s1  }
0xa: {  	[smem:$0x3FAC] =	sst s2  }
0xb: {  	[smem:$0x3FAD] =	sst s3  }
0xc: {  	[smem:$0x3FAE] =	sst s4  }
0xd: {  	[smem:$0x3FAF] =	sst s5  }
0xe: {  	[smem:$0x3FB0] =	sst s6  }
0xf: {  	[smem:$0x3FB1] =	sst s7  }
0x10: {  	[smem:$0x3FB2] =	sst s8  }
0x11: {  	[smem:$0x3FB3] =	sst s9;
	s0 =	simm.s32 @!p0 $0x0  }
0x12: {  	s1 =	sld [smem:$0x3F99];
	s0 =	simm.s32 @p0 $0x1  }
0x13: {  	[smem:$0x3FB4] =	sst s0;
	s0 =	simm.s32 @!p1 $0x0  }
0x14: {  	s2 =	sld [smem:$0x3F98];
	s0 =	simm.s32 @p1 $0x1  }
0x15: {  	[smem:$0x3FB5] =	sst s0;
	s0 =	simm.s32 @!p2 $0x0  }
0x16: {  	s3 =	sld [smem:$0x3FDB];
	s0 =	simm.s32 @p2 $0x1  }
0x17: {  	s4 =	simm.s32 $0x1BF5;
	[smem:$0x3FB7] =	sst s0  }
0x18: {  	s0 =	sld [smem:$0x3F9A];
	_ =	swait.ge [sflag:s4], $0x0  }
0x19: {  	s7 =	sld [smem:$0x3F9B]  }
0x1a: {  	s8 =	sadd.s32 $0xFFFFE003, lr  }
0x1b: {  	s9 =	sadd.s32 $0xFFFFFEF7, lr;
	s5 =	simm.s32 $0xFFFFFFFF;
	p2 =	slt.u32 s8, $0xFFFFF086  }
0x1c: {  	p1 =	slt.u32 s9, $0xF7A;
	s5 =	simm.s32 @!p2 $0x0  }
0x1d: {  	s5 =	simm.s32 @p1 $0x1;
	p0 =	seq.s32 s7, s2  }
0x1e: {  	s7 =	smul.u32 @!p0 $0xF7A, s2;
	p2 =	seq.s32 @!p0 s5, $0x0  }
0x1f: {  	s9 =	smul.u32 $0xF7A, s1;
	s8 =	simm.s32 @!p0 $0x1BF5;
	p2 =	por !p2, p0  }
0x20: {  	[sflag:s8] =	ssyncset.s32 @!p0 $0xFFFFF086;
	s6 =	sadd.s32 @!p0 s3, s7;
	s7 =	simm.s32 @!p0 $0x108  }
0x21: {  	s3 =	sadd.s32 s3, s9;
	s6 =	sadd.s32 @!p0 $0x88, s6;
	s7 =	simm.s32 @p2 $0x1082  }
0x22: {  	[simem:s7], [sflag:s8] =	dma.local @!p0 [hbm:s6], $0xF7A  }
0x23: {  	s9 =	sor.u32 $0xD0000000, s2;
	s6 =	simm.s32 $0x108;
	_ =	swait.ge @!p0 [sflag:s8], $0x0  }
0x24: {  	s3 =	sadd.s32 $0x88, s3;
	s6 =	simm.s32 @!p1 $0x1082;
	[sflag:s4] =	ssyncset.s32 $0xFFFFF086  }
0x25: {  	[simem:s6], [sflag:s4] =	dma.local [hbm:s3], $0xF7A  }
0x26: {  	[smem:$0x3F9B] =	sst s1;
	(tag) =	ssettag s2;
	_ =	strace s9  }
0x27: {  	s1 =	sld [smem:$0x3FAB]  }
0x28: {  	s2 =	sld [smem:$0x3FAC]  }
0x29: {  	s4 =	sld [smem:$0x3FAE]  }
0x2a: {  	p0 =	seq.s32 s5, $0x0;
	s5 =	sld [smem:$0x3FAF]  }
0x2b: {  	s6 =	sld [smem:$0x3FB0]  }
0x2c: {  	s7 =	sld [smem:$0x3FB1]  }
0x2d: {  	s3 =	simm.s32 $0x108;
	s8 =	sld [smem:$0x3FB2]  }
0x2e: {  	s3 =	simm.s32 @!p0 $0x1082;
	s9 =	sld [smem:$0x3FB3]  }
0x2f: {  	lr =	sadd.s32 s0, s3;
	s0 =	sld [smem:$0x3FAA]  }
0x30: {  	s3 =	sld [smem:$0x3FAD]  }
0x31: {  	[smem:$0x3FB6] =	sst s10  }
0x32: {  	s10 =	sld [smem:$0x3FB4];
	_ =	sdelay $0x3  }
0x33: {  	p0 =	seq.s32 s10, $0x1;
	s10 =	sld [smem:$0x3FB6];
	_ =	sdelay $0x3  }
0x34: {  	[smem:$0x3FB6] =	sst s10  }
0x35: {  	s10 =	sld [smem:$0x3FB5];
	_ =	sdelay $0x3  }
0x36: {  	p1 =	seq.s32 s10, $0x1;
	s10 =	sld [smem:$0x3FB6];
	_ =	sdelay $0x3  }
0x37: {  	[smem:$0x3FB6] =	sst s10  }
0x38: {  	s10 =	sld [smem:$0x3FB7]  }
0x39: {  	_ = 	snop;
	(pc) =	sbr.ind lr, $3  }
0x3a: {  	_ = 	snop  }
0x3b: {  	_ = 	snop  }
0x3c: {  	p2 =	seq.s32 s10, $0x1;
	s10 =	sld [smem:$0x3FB6]  }
0x3d: {  	_ =	shalt  }
0x3e: {  	_ =	shalt  }
0x3f: {  	_ =	shalt  }
0x40: {  	_ =	shalt  }
0x41: {  	_ =	shalt  }
0x42: {  	_ =	shalt  }
0x43: {  	_ =	shalt  }
0x44: {  	_ =	shalt  }
0x45: {  	_ =	shalt  }
0x46: {  	_ =	shalt  }
0x47: {  	_ =	shalt  }
0x48: {  	_ =	shalt  }
0x49: {  	_ =	shalt  }
0x4a: {  	_ =	shalt  }
0x4b: {  	_ =	shalt  }
0x4c: {  	_ =	shalt  }
0x4d: {  	_ =	shalt  }
0x4e: {  	_ =	shalt  }
0x4f: {  	_ =	shalt  }
0x50: {  	_ =	shalt  }
0x51: {  	_ =	shalt  }
0x52: {  	_ =	shalt  }
0x53: {  	_ =	shalt  }
0x54: {  	_ =	shalt  }
0x55: {  	_ =	shalt  }
0x56: {  	_ =	shalt  }
0x57: {  	_ =	shalt  }
0x58: {  	_ =	shalt  }
0x59: {  	_ =	shalt  }
0x5a: {  	_ =	shalt  }
0x5b: {  	_ =	shalt  }
0x5c: {  	_ =	shalt  }
0x5d: {  	_ =	shalt  }
0x5e: {  	_ =	shalt  }
0x5f: {  	_ =	shalt  }
0x60: {  	_ =	shalt  }
0x61: {  	_ =	shalt  }
0x62: {  	_ =	shalt  }
0x63: {  	_ =	shalt  }
0x64: {  	_ =	shalt  }
0x65: {  	_ =	shalt  }
0x66: {  	_ =	shalt  }
0x67: {  	_ =	shalt  }
0x68: {  	_ =	shalt  }
0x69: {  	_ =	shalt  }
0x6a: {  	_ =	shalt  }
0x6b: {  	_ =	shalt  }
0x6c: {  	_ =	shalt  }
0x6d: {  	_ =	shalt  }
0x6e: {  	_ =	shalt  }
0x6f: {  	_ =	shalt  }
0x70: {  	_ =	shalt  }
0x71: {  	_ =	shalt  }
0x72: {  	_ =	shalt  }
0x73: {  	_ =	shalt  }
0x74: {  	_ =	shalt  }
0x75: {  	_ =	shalt  }
0x76: {  	_ =	shalt  }
0x77: {  	_ =	shalt  }
0x78: {  	_ =	shalt  }
0x79: {  	_ =	shalt  }
0x7a: {  	_ =	shalt  }
0x7b: {  	_ =	shalt  }
0x7c: {  	_ =	shalt  }
0x7d: {  	_ =	shalt  }
0x7e: {  	_ =	shalt  }
0x7f: {  	_ =	shalt  }
0x80: {  	_ =	shalt  }
0x81: {  	_ =	shalt  }
0x82: {  	_ =	shalt  }
0x83: {  	_ =	shalt  }
0x84: {  	_ =	shalt  }
0x85: {  	_ =	shalt  }
0x86: {  	_ =	shalt  }
0x87: {  	_ =	shalt  }
.Lfunc_end0:
.L_simem_size_0:
called_computation.2_lowered:
.L_overlay_start_0:
0x88: {  	s2 =	sld [smem:$0x3FD9]  }
0x89: {  	s3 =	sld [smem:$0x3FFE];
	_ =	sdelay $0x1  }
0x8a: {  	s1 =	srdreg.scid  }
0x8b: {  	s0 =	sand.u32 $0x1, s1  }
0x8c: {  	s17 =	sshll.u32 s0, $0xA;
	s2 =	sadd.s32 s3, s2  }
0x8d: {  	s2 =	sadd.s32 s2, s17  }
0x8e: {  	[smem:$0x3FC2] =	sst s2  }
0x8f: {  	_ = 	snop  }
0x90: {  	s2 =	sld [smem:$0x3FD0];
	(tm) =	ssettm $0x1  }
0x91: {  	s18 =	sld [smem:$0x3FFB];
	_ =	sdelay $0x3  }
0x92: {  	_ =	strace s18  }
0x93: {  	s3 =	sld [smem:$0x3FFC];
	_ =	sdelay $0x3  }
0x94: {  	_ =	strace s3  }
0x95: {  	s3 =	sld [smem:$0x3FFD];
	_ =	sdelay $0x3  }
0x96: {  	_ =	strace s3  }
0x97: {  	_ =	strace $0x8FFFFFFF  }
0x98: {  	s19 =	sld [smem:$0x3FDB];
	_ =	sdelay $0x1  }
0x99: {  	s4 =	simm.s32 $_scs_section_size  }
0x9a: {  	s5 =	simm.s32 $_size__tile_overlayer_lowered;
	s6 =	simm.s32 $_tile_overlayer_lowered  }
0x9b: {  	s22 =	simm.s32 $0x1BFF;
	s21 =	sshll.u32 s6, $0x1;
	s3 =	sadd.s32 s4, s19  }
0x9c: {  	s7 =	simm.s32 $0x0;
	s20 =	sshll.u32 s5, $0x1;
	s5 =	sadd.s32 s21, s3  }
0x9d: {  	[timem:s7], [sflag:s22] =	dma.local [hbm:s5], s20  }
0x9e: {  	_ =	swait.ge [sflag:s22], s20  }
0x9f: {  	s4 =	ssub.s32 $0x0, s20;
	[sflag:s22] =	ssyncset.done $0x0  }
0xa0: {  	[sflag:s22] =	ssyncadd.s32 s4;
	_ =	sdelay $0x1  }
0xa1: {  	s23 =	simm.s32 $0x1B8B  }
0xa2: {  	_ =	swait.ge [sflag:s23], $0x1  }
0xa3: {  	[sflag:s23] =	ssyncset.done $0x0  }
0xa4: {  	s25 =	simm.s32 $0x1B8E;
	s24 =	sld [smem:$0x3FFE];
	[sflag:s23] =	ssyncadd.s32 $0xFFFFFFFF  }
0xa5: {  	s26 =	simm.s32 $execute0_lowered;
	[smem:$0x3FD2] =	sst s25  }
0xa6: {  	s5 =	sshll.u32 s26, $0x1;
	_ =	strace $0x8000004C;
	[dreg:$0x1] =	wrdreg $0xFFFFFFFF  }
0xa7: {  	s28 =	simm.s32 $_size_execute0_lowered;
	s3 =	sadd.s32 s3, s5;
	[dreg:$0x0] =	wrdreg $0x0  }
0xa8: {  	s5 =	sshll.u32 s28, $0x1;
	[dreg:$0x2] =	wrdreg s3  }
0xa9: {  	[dreg:$0x3] =	wrdreg s5  }
0xaa: {  	[dreg:$0x4] =	wrdreg $0xC0  }
0xab: {  	_ =	task [dreg:s7], $0x5FFFF  }
0xac: {  	[dreg:$0x1] =	wrdreg $0xFFFFFFFF  }
0xad: {  	[dreg:$0x0] =	wrdreg $0x60  }
0xae: {  	[dreg:$0x2] =	wrdreg s24  }
0xaf: {  	[dreg:$0x3] =	wrdreg s2  }
0xb0: {  	[dreg:$0x4] =	wrdreg $0x0  }
0xb1: {  	[dreg:$0x5] =	wrdreg $0x9  }
0xb2: {  	_ =	task.clear_ibuf [dreg:s7], $0x6FFFF;
	_ =	strace $0x9000004C  }
0xb3: {  	s29 =	simm.s32 $0x9;
	_ =	strace $0x8000004E  }
0xb4: {  	_ =	swait.ge [sflag:s29], $0x1  }
0xb5: {  	[sflag:s29] =	ssyncadd.s32 $0xFFFFFFFF  }
0xb6: {  	_ =	strace $0x9000004E  }
0xb7: {  	_ =	sfence  }
0xb8: {  	s30 =	sld [smem:$0x0];
	_ =	sdelay $0x2  }
0xb9: {  	s31 =	sshll.u32 s1, $0xD;
	s1 =	sshrl.u32 s1, $0x2  }
0xba: {  	s3 =	sand.u32 $0x4000, s31;
	s1 =	sadd.s32 s1, s30  }
0xbb: {  	s0 =	sor.u32 s3, s0;
	s1 =	sshll.u32 s1, $0x11  }
0xbc: {  	s0 =	sor.u32 s1, s0  }
0xbd: {  	s0 =	sadd.s32 $0x8F2B, s0  }
0xbe: {  	[sflag:s0] =	ssyncadd.remote.s32 $0x1  }
0xbf: {  	_ =	sfence.sel $0xFFFF  }
0xc0: {  	[dreg:$0x0] =	wrdreg $0xFFFFFFFF;
	(pc) =	sbr.abs _section_cstart, $3  }
0xc1: {  	[dreg:$0x1] =	wrdreg $0xFFFFFFFF  }
0xc2: {  	_ =	task.clear_ibuf [dreg:s7], $0x2FFFF;
	_ =	strace $0x9FFFFFFF  }
0xc3: {  	(tm) =	ssettm $0x7FFFFFFF  }
tec
execute0_lowered:
.L_overlay_start_1:
0x0: {  	(tag) =	ssettag $0x1  }
0x1: {  	s6 =	rddreg [dreg:$0x0]  }
0x2: {  	s12 =	rddreg [dreg:$0x1]  }
0x3: {  	s1 =	rddreg [dreg:$0x2];
	s2 =	srdreg.scid  }
0x4: {  	s3 =	simm.s32 $0x0;
	s0 =	stileid.u32;
	s28 =	simm.s32 $0x18100  }
0x5: {  	s29 =	simm.s32 $0x0;
	s7 =	sand.u32 $0x1, s2;
	s9 =	smul.u32 $0x14000, s0  }
0x6: {  	[smem:$0x7FF] =	sst s3;
	s4 =	sadd.s32 $0xBC00, s6;
	s10 =	smul.u32 $0x50000, s0  }
0x7: {  	s11 =	sadd.s32 $0x1E00, s6;
	s5 =	sadd.s32 $0x33C00, s6;
	s24 =	smul.u32 $0x4E20, s0  }
0x8: {  	s19 =	sshll.u32 s0, $0x1;
	s22 =	sshll.u32 s0, $0x6;
	s8 =	smul.u32 $0x140000, s7  }
0x9: {  	_ =	strace $0x8000004D;
	s17 =	ssub.s32 $0x2, s7;
	s20 =	sor.u32 s7, s19  }
0xa: {  	s26 =	smul.u32 $0x2710, s7;
	s18 =	sshrl.u32 s17, $0x1;
	s21 =	sshrl.u32 s10, $0x2  }
0xb: {  	s23 =	smul.u32 $0x2710, s20;
	s8 =	sadd.s32 s9, s8;
	s14 =	ssub.s32 s17, s18  }
0xc: {  	s15 =	sadd.s32 s21, s1;
	s20 =	sadd.s32 s26, s24;
	s21 =	simm.s32 $0x80  }
0xd: {  	s24 =	simm.s32 $0x18900;
	s26 =	simm.s32 $0x10;
	s8 =	sshrl.u32 s8, $0x3  }
0xe: {  	s16 =	sadd.s32 $0x4000, s15;
	s17 =	sadd.s32 $0x8000, s15;
	s25 =	sshrl.u32 s23, $0x3  }
0xf: {  	s18 =	sadd.s32 $0xC000, s15;
	s19 =	sadd.s32 $0x10000, s15;
	s10 =	smax.u32 s14, $0x1  }
0x10: {  	s31 =	sshrl.u32 s20, $0x3;
	s14 =	simm.s32 $0x2;
	s20 =	simm.s32 $0x18080  }
0x11: {  	s23 =	simm.s32 $0x1;
	s13 =	sadd.s32 s8, s6;
	s6 =	sor.u32 $0x1C02, s22  }
0x12: {  	s8 =	sadd.s32 $0x4E0, s25;
	s22 =	simm.s32 $0x14000;
	s25 =	simm.s32 $0x18980  }
0x13: {  	s30 =	sadd.s32 s12, s8;
	s8 =	sadd.s32 s11, s8;
	s9 =	sadd.s32 $0x34400, s13  }
0x14: {  	s11 =	sadd.s32 s31, s11;
	s12 =	sadd.s32 s31, s12;
	s13 =	sshrl.u32 s15, $0x3  }
0x15: {  	s15 =	sshrl.u32 s16, $0x3;
	s16 =	sshrl.u32 s17, $0x3;
	s17 =	sshrl.u32 s18, $0x3  }
0x16: {  	s18 =	sshrl.u32 s19, $0x3;
	s19 =	simm.s32 $0x18000;
	[dreg:$0x4] =	wrdreg s30  }
.LBB2_1:
0x17: {  	[spmem:s13], [sflag:s6] =	dma.local [hbm:s5], $0x800  }
0x18: {  	_ =	swait.ge [sflag:s14], $0x800  }
0x19: {  	[sflag:s14] =	ssyncset.done $0x0  }
0x1a: {  	[sflag:s14] =	ssyncadd.s32 $0xFFFFF800  }
0x1b: {  	[spmem:s15], [sflag:s6] =	dma.local [hbm:s5], $0x800  }
0x1c: {  	_ =	swait.ge [sflag:s14], $0x800  }
0x1d: {  	[sflag:s14] =	ssyncset.done $0x0  }
0x1e: {  	[sflag:s14] =	ssyncadd.s32 $0xFFFFF800  }
0x1f: {  	[spmem:s16], [sflag:s6] =	dma.local [hbm:s5], $0x800  }
0x20: {  	_ =	swait.ge [sflag:s14], $0x800  }
0x21: {  	[sflag:s14] =	ssyncset.done $0x0  }
0x22: {  	[sflag:s14] =	ssyncadd.s32 $0xFFFFF800  }
0x23: {  	[spmem:s17], [sflag:s6] =	dma.local [hbm:s5], $0x800  }
0x24: {  	_ =	swait.ge [sflag:s14], $0x800  }
0x25: {  	[sflag:s14] =	ssyncset.done $0x0  }
0x26: {  	[sflag:s14] =	ssyncadd.s32 $0xFFFFF800  }
0x27: {  	[spmem:s18], [sflag:s6] =	dma.local [hbm:s5], $0x800  }
0x28: {  	_ =	swait.ge [sflag:s14], $0x800  }
0x29: {  	[sflag:s14] =	ssyncset.done $0x0  }
0x2a: {  	[sflag:s14] =	ssyncadd.s32 $0xFFFFF800  }
0x2b: {  	s30 =	sadd.s32 $0x0, s12;
	[bflag:$0x0] =	sbarrier.arrive $0xFFFF  }
0x2c: {  	[tilespmem:s19], [sflag:$0x2] =	stream.linear.gather [hbm4b:s30+s3], $0x80, $0x38;
	[tilespmem:$0x18A00] =	vst v63  }
0x2d: {  	_ =	swait.ge [sflag:s14], $0x80  }
0x2e: {  	[sflag:s14] =	ssyncset.done $0x0  }
0x2f: {  	s30 =	sadd.s32 $0x0, s11;
	[sflag:s14] =	ssyncadd.s32 $0xFFFFFF80  }
0x30: {  	[tilespmem:s20], [sflag:$0x2] =	stream.linear.gather [hbm4b:s30+s3], $0x80, $0x38;
	[tilespmem:$0x18A00] =	vst v63  }
0x31: {  	_ =	swait.ge [sflag:s14], $0x80  }
0x32: {  	[sflag:s14] =	ssyncset.done $0x0  }
0x33: {  	[sflag:s14] =	ssyncadd.s32 $0xFFFFFF80  }
0x34: {  	[tilespmem:s22], [sflag:$0x1] =	stream.indirect.gather [hbm4b:s4+s21], $0x80, s19, s21, $0xb8;
	[tilespmem:$0x18A00] =	vst v63  }
0x35: {  	_ =	swait.ge [sflag:s23], $0x4000  }
0x36: {  	[sflag:s23] =	ssyncset.done $0x0  }
0x37: {  	[sflag:s23] =	ssyncadd.s32 $0xFFFFC000  }
0x38: {  	[spmem:s1] =	stream.indirect.scatter.add.f32 [tilespmem:s22], [sflag:$0x2], $0x80, s20, s21, $0xb8;
	[tilespmem:$0x18A00] =	vst v63  }
0x39: {  	_ =	swait.ge [sflag:s14], $0x4000  }
0x3a: {  	s31 =	simm.s32 $0x20;
	s30 =	simm.s32 $0x10;
	[sflag:s14] =	ssyncset.done $0x0  }
.LBB2_2:
0x3b: {  	s0 =	sadd.s32 s30, s12  }
0x3c: {  	[sflag:s14] =	ssyncadd.s32 $0xFFFFC000;
	s2 =	smov.u32 s31;
	s7 =	sadd.s32 $0x10, s31  }
0x3d: {  	[tilespmem:s19], [sflag:$0x2] =	stream.linear.gather [hbm4b:s0+s3], $0x80, $0x38;
	[tilespmem:$0x18A00] =	vst v63  }
0x3e: {  	p0 =	sne.s32 s31, $0x4D0;
	_ =	swait.ge [sflag:s14], $0x80  }
0x3f: {  	[sflag:s14] =	ssyncset.done $0x0  }
0x40: {  	s0 =	sadd.s32 s30, s11;
	s30 =	smov.u32 s2;
	[sflag:s14] =	ssyncadd.s32 $0xFFFFFF80  }
0x41: {  	[tilespmem:s20], [sflag:$0x2] =	stream.linear.gather [hbm4b:s0+s3], $0x80, $0x38;
	[tilespmem:$0x18A00] =	vst v63  }
0x42: {  	_ =	swait.ge [sflag:s14], $0x80  }
0x43: {  	[sflag:s14] =	ssyncset.done $0x0  }
0x44: {  	[sflag:s14] =	ssyncadd.s32 $0xFFFFFF80  }
0x45: {  	[tilespmem:s22], [sflag:$0x1] =	stream.indirect.gather [hbm4b:s4+s21], $0x80, s19, s21, $0xb8;
	[tilespmem:$0x18A00] =	vst v63  }
0x46: {  	_ =	swait.ge [sflag:s23], $0x4000  }
.Ltmp0:
0x47: {  	[sflag:s23] =	ssyncset.done $0x0;
	(pc) =	sbr.rel @p0 .LBB2_2-.Ltmp0, $4  }
0x48: {  	[sflag:s23] =	ssyncadd.s32 $0xFFFFC000  }
0x49: {  	[spmem:s1] =	stream.indirect.scatter.add.f32 [tilespmem:s22], [sflag:$0x2], $0x80, s20, s21, $0xb8;
	[tilespmem:$0x18A00] =	vst v63  }
0x4a: {  	_ =	swait.ge [sflag:s14], $0x4000  }
0x4b: {  	s31 =	smov.u32 s7;
	[sflag:s14] =	ssyncset.done $0x0  }
0x4c: {  	s0 =	sadd.s32 s30, s12;
	[sflag:s14] =	ssyncadd.s32 $0xFFFFC000  }
0x4d: {  	[tilespmem:s19], [sflag:$0x2] =	stream.linear.gather [hbm4b:s0+s3], $0x80, $0x38;
	[tilespmem:$0x18A00] =	vst v63  }
0x4e: {  	_ =	swait.ge [sflag:s14], $0x80  }
0x4f: {  	[sflag:s14] =	ssyncset.done $0x0  }
0x50: {  	s30 =	sadd.s32 s30, s11;
	[sflag:s14] =	ssyncadd.s32 $0xFFFFFF80  }
0x51: {  	[tilespmem:s20], [sflag:$0x2] =	stream.linear.gather [hbm4b:s30+s3], $0x80, $0x38;
	[tilespmem:$0x18A00] =	vst v63  }
0x52: {  	_ =	swait.ge [sflag:s14], $0x80  }
0x53: {  	[sflag:s14] =	ssyncset.done $0x0  }
0x54: {  	[sflag:s14] =	ssyncadd.s32 $0xFFFFFF80  }
0x55: {  	[tilespmem:s22], [sflag:$0x1] =	stream.indirect.gather [hbm4b:s4+s21], $0x80, s19, s21, $0xb8;
	[tilespmem:$0x18A00] =	vst v63  }
0x56: {  	_ =	swait.ge [sflag:s23], $0x4000  }
0x57: {  	[sflag:s23] =	ssyncset.done $0x0  }
0x58: {  	[sflag:s23] =	ssyncadd.s32 $0xFFFFC000  }
0x59: {  	[spmem:s1] =	stream.indirect.scatter.add.f32 [tilespmem:s22], [sflag:$0x2], $0x80, s20, s21, $0xb8;
	[tilespmem:$0x18A00] =	vst v63  }
0x5a: {  	_ =	swait.ge [sflag:s14], $0x4000  }
0x5b: {  	[sflag:s14] =	ssyncset.done $0x0  }
0x5c: {  	s31 =	rddreg [dreg:$0x4];
	[sflag:s14] =	ssyncadd.s32 $0xFFFFC000  }
0x5d: {  	[tilespmem:s24], [sflag:$0x2] =	stream.linear.gather [hbm4b:s31+s3], $0x10, $0x38;
	[tilespmem:$0x18A00] =	vst v63  }
0x5e: {  	_ =	swait.ge [sflag:s14], $0x10  }
0x5f: {  	[sflag:s14] =	ssyncset.done $0x0  }
0x60: {  	[sflag:s14] =	ssyncadd.s32 $0xFFFFFFF0  }
0x61: {  	[tilespmem:s25], [sflag:$0x2] =	stream.linear.gather [hbm4b:s8+s3], $0x10, $0x38;
	[tilespmem:$0x18A00] =	vst v63  }
0x62: {  	_ =	swait.ge [sflag:s14], $0x10  }
0x63: {  	[sflag:s14] =	ssyncset.done $0x0  }
0x64: {  	[sflag:s14] =	ssyncadd.s32 $0xFFFFFFF0  }
0x65: {  	[tilespmem:s28], [sflag:$0x1] =	stream.indirect.gather [hbm4b:s4+s26], $0x80, s24, s26, $0xb8;
	[tilespmem:$0x18A00] =	vst v63  }
0x66: {  	_ =	swait.ge [sflag:s23], $0x800  }
0x67: {  	[sflag:s23] =	ssyncset.done $0x0  }
0x68: {  	[sflag:s23] =	ssyncadd.s32 $0xFFFFF800  }
0x69: {  	[spmem:s1] =	stream.indirect.scatter.add.f32 [tilespmem:s28], [sflag:$0x2], $0x80, s25, s26, $0xb8;
	[tilespmem:$0x18A00] =	vst v63  }
0x6a: {  	_ =	swait.ge [sflag:s14], $0x800  }
0x6b: {  	s29 =	sadd.s32 $0x1, s29;
	[sflag:s14] =	ssyncset.done $0x0  }
0x6c: {  	p0 =	sne.s32 s29, s10;
	[sflag:s14] =	ssyncadd.s32 $0xFFFFF800  }
.Ltmp1:
0x6d: {  	[bflag:$0x0] =	sbarrier.arrive $0xFFFF;
	(pc) =	sbr.rel @p0 .LBB2_1-.Ltmp1, $4  }
0x6e: {  	[hbm:s9], [sflag:s6] =	dma.local [spmem:s13], $0x2800  }
0x6f: {  	_ =	swait.ge [sflag:s14], $0x2800  }
0x70: {  	[sflag:s14] =	ssyncset.done $0x0  }
0x71: {  	[sflag:s14] =	ssyncadd.s32 $0xFFFFD800  }
0x72: {  	_ =	sfence.sel $0x180000  }
0x73: {  	[bflag:$0x0] =	sbarrier.arrive $0xFFFF  }
0x74: {  	_ =	strace $0x9000004D  }
0x75: {  	s0 =	stileid.u32;
	[bflag:$0x2] =	sbarrier.arrive $0xFFFF  }
0x76: {  	p0 =	sne.s32 s0, $0x0;
	s0 =	rddreg [dreg:$0x3]  }
0x77: {  	s0 =	sadd.s32 @!p0 $0x100000, s0  }
0x78: {  	[sflag:s0] =	ssyncadd.tile.s32 @!p0 $0x1;
	_ =	shalt  }
.Lfunc_end2:
_tile_overlayer_lowered:
.L_overlay_start_2:
0x79: {  	(tag) =	ssettag $0x2  }
0x7a: {  	s0 =	rddreg [dreg:$0x0];
	s2 =	stileid.u32  }
0x7b: {  	s1 =	rddreg [dreg:$0x1];
	p0 =	sne.s32 s2, $0x0  }
0x7c: {  	s3 =	rddreg [dreg:$0x2];
	[bflag:$0x3] =	sbarrier.arrive $0xFFFF;
	s2 =	simm.s32 @!p0 $0x1C02  }
0x7d: {  	[timem:s3], [sflag:s2] =	dma.local @!p0 [hbm:s0], s1  }
0x7e: {  	s0 =	simm.s32 @!p0 $0x2  }
0x7f: {  	_ =	swait.ge @!p0 [sflag:s0], s1  }
0x80: {  	s1 =	ssub.s32 @!p0 $0x0, s1;
	[sflag:s0] =	ssyncset.done @!p0 $0x0  }
0x81: {  	[sflag:s0] =	ssyncadd.s32 @!p0 s1  }
0x82: {  	[bflag:$0x3] =	sbarrier.arrive $0xFFFF  }
0x83: {  	_ =	shalt  }

// kernel: kernel.8.cloned.1.call-start
scs
__scs_entry_jumppad:
0x0: {  	(pc) =	sbr.rel $0x88, $3  }
0x1: {  	(tag) =	ssettag $0x0;
	lr =	simm.s32 $0x1  }
0x2: {  	[smem:$0x3F9B] =	sst lr;
	_ =	strace $0xD0000000  }
0x3: {  	_ = 	snop  }
0x4: {  	_ = 	snop  }
0x5: {  	_ = 	snop  }
0x6: {  	_ = 	snop  }
0x7: {  	_ = 	snop  }
__scs_overlays_trampoline_lowered:
0x8: {  	[smem:$0x3FAA] =	sst s0  }
0x9: {  	[smem:$0x3FAB] =	sst s1  }
0xa: {  	[smem:$0x3FAC] =	sst s2  }
0xb: {  	[smem:$0x3FAD] =	sst s3  }
0xc: {  	[smem:$0x3FAE] =	sst s4  }
0xd: {  	[smem:$0x3FAF] =	sst s5  }
0xe: {  	[smem:$0x3FB0] =	sst s6  }
0xf: {  	[smem:$0x3FB1] =	sst s7  }
0x10: {  	[smem:$0x3FB2] =	sst s8  }
0x11: {  	[smem:$0x3FB3] =	sst s9;
	s0 =	simm.s32 @!p0 $0x0  }
0x12: {  	s1 =	sld [smem:$0x3F99];
	s0 =	simm.s32 @p0 $0x1  }
0x13: {  	[smem:$0x3FB4] =	sst s0;
	s0 =	simm.s32 @!p1 $0x0  }
0x14: {  	s2 =	sld [smem:$0x3F98];
	s0 =	simm.s32 @p1 $0x1  }
0x15: {  	[smem:$0x3FB5] =	sst s0;
	s0 =	simm.s32 @!p2 $0x0  }
0x16: {  	s3 =	sld [smem:$0x3FDB];
	s0 =	simm.s32 @p2 $0x1  }
0x17: {  	s4 =	simm.s32 $0x1BF5;
	[smem:$0x3FB7] =	sst s0  }
0x18: {  	s0 =	sld [smem:$0x3F9A];
	_ =	swait.ge [sflag:s4], $0x0  }
0x19: {  	s7 =	sld [smem:$0x3F9B]  }
0x1a: {  	s8 =	sadd.s32 $0xFFFFE003, lr  }
0x1b: {  	s9 =	sadd.s32 $0xFFFFFEF7, lr;
	s5 =	simm.s32 $0xFFFFFFFF;
	p2 =	slt.u32 s8, $0xFFFFF086  }
0x1c: {  	p1 =	slt.u32 s9, $0xF7A;
	s5 =	simm.s32 @!p2 $0x0  }
0x1d: {  	s5 =	simm.s32 @p1 $0x1;
	p0 =	seq.s32 s7, s2  }
0x1e: {  	s7 =	smul.u32 @!p0 $0xF7A, s2;
	p2 =	seq.s32 @!p0 s5, $0x0  }
0x1f: {  	s9 =	smul.u32 $0xF7A, s1;
	s8 =	simm.s32 @!p0 $0x1BF5;
	p2 =	por !p2, p0  }
0x20: {  	[sflag:s8] =	ssyncset.s32 @!p0 $0xFFFFF086;
	s6 =	sadd.s32 @!p0 s3, s7;
	s7 =	simm.s32 @!p0 $0x108  }
0x21: {  	s3 =	sadd.s32 s3, s9;
	s6 =	sadd.s32 @!p0 $0x88, s6;
	s7 =	simm.s32 @p2 $0x1082  }
0x22: {  	[simem:s7], [sflag:s8] =	dma.local @!p0 [hbm:s6], $0xF7A  }
0x23: {  	s9 =	sor.u32 $0xD0000000, s2;
	s6 =	simm.s32 $0x108;
	_ =	swait.ge @!p0 [sflag:s8], $0x0  }
0x24: {  	s3 =	sadd.s32 $0x88, s3;
	s6 =	simm.s32 @!p1 $0x1082;
	[sflag:s4] =	ssyncset.s32 $0xFFFFF086  }
0x25: {  	[simem:s6], [sflag:s4] =	dma.local [hbm:s3], $0xF7A  }
0x26: {  	[smem:$0x3F9B] =	sst s1;
	(tag) =	ssettag s2;
	_ =	strace s9  }
0x27: {  	s1 =	sld [smem:$0x3FAB]  }
0x28: {  	s2 =	sld [smem:$0x3FAC]  }
0x29: {  	s4 =	sld [smem:$0x3FAE]  }
0x2a: {  	p0 =	seq.s32 s5, $0x0;
	s5 =	sld [smem:$0x3FAF]  }
0x2b: {  	s6 =	sld [smem:$0x3FB0]  }
0x2c: {  	s7 =	sld [smem:$0x3FB1]  }
0x2d: {  	s3 =	simm.s32 $0x108;
	s8 =	sld [smem:$0x3FB2]  }
0x2e: {  	s3 =	simm.s32 @!p0 $0x1082;
	s9 =	sld [smem:$0x3FB3]  }
0x2f: {  	lr =	sadd.s32 s0, s3;
	s0 =	sld [smem:$0x3FAA]  }
0x30: {  	s3 =	sld [smem:$0x3FAD]  }
0x31: {  	[smem:$0x3FB6] =	sst s10  }
0x32: {  	s10 =	sld [smem:$0x3FB4];
	_ =	sdelay $0x3  }
0x33: {  	p0 =	seq.s32 s10, $0x1;
	s10 =	sld [smem:$0x3FB6];
	_ =	sdelay $0x3  }
0x34: {  	[smem:$0x3FB6] =	sst s10  }
0x35: {  	s10 =	sld [smem:$0x3FB5];
	_ =	sdelay $0x3  }
0x36: {  	p1 =	seq.s32 s10, $0x1;
	s10 =	sld [smem:$0x3FB6];
	_ =	sdelay $0x3  }
0x37: {  	[smem:$0x3FB6] =	sst s10  }
0x38: {  	s10 =	sld [smem:$0x3FB7]  }
0x39: {  	_ = 	snop;
	(pc) =	sbr.ind lr, $3  }
0x3a: {  	_ = 	snop  }
0x3b: {  	_ = 	snop  }
0x3c: {  	p2 =	seq.s32 s10, $0x1;
	s10 =	sld [smem:$0x3FB6]  }
0x3d: {  	_ =	shalt  }
0x3e: {  	_ =	shalt  }
0x3f: {  	_ =	shalt  }
0x40: {  	_ =	shalt  }
0x41: {  	_ =	shalt  }
0x42: {  	_ =	shalt  }
0x43: {  	_ =	shalt  }
0x44: {  	_ =	shalt  }
0x45: {  	_ =	shalt  }
0x46: {  	_ =	shalt  }
0x47: {  	_ =	shalt  }
0x48: {  	_ =	shalt  }
0x49: {  	_ =	shalt  }
0x4a: {  	_ =	shalt  }
0x4b: {  	_ =	shalt  }
0x4c: {  	_ =	shalt  }
0x4d: {  	_ =	shalt  }
0x4e: {  	_ =	shalt  }
0x4f: {  	_ =	shalt  }
0x50: {  	_ =	shalt  }
0x51: {  	_ =	shalt  }
0x52: {  	_ =	shalt  }
0x53: {  	_ =	shalt  }
0x54: {  	_ =	shalt  }
0x55: {  	_ =	shalt  }
0x56: {  	_ =	shalt  }
0x57: {  	_ =	shalt  }
0x58: {  	_ =	shalt  }
0x59: {  	_ =	shalt  }
0x5a: {  	_ =	shalt  }
0x5b: {  	_ =	shalt  }
0x5c: {  	_ =	shalt  }
0x5d: {  	_ =	shalt  }
0x5e: {  	_ =	shalt  }
0x5f: {  	_ =	shalt  }
0x60: {  	_ =	shalt  }
0x61: {  	_ =	shalt  }
0x62: {  	_ =	shalt  }
0x63: {  	_ =	shalt  }
0x64: {  	_ =	shalt  }
0x65: {  	_ =	shalt  }
0x66: {  	_ =	shalt  }
0x67: {  	_ =	shalt  }
0x68: {  	_ =	shalt  }
0x69: {  	_ =	shalt  }
0x6a: {  	_ =	shalt  }
0x6b: {  	_ =	shalt  }
0x6c: {  	_ =	shalt  }
0x6d: {  	_ =	shalt  }
0x6e: {  	_ =	shalt  }
0x6f: {  	_ =	shalt  }
0x70: {  	_ =	shalt  }
0x71: {  	_ =	shalt  }
0x72: {  	_ =	shalt  }
0x73: {  	_ =	shalt  }
0x74: {  	_ =	shalt  }
0x75: {  	_ =	shalt  }
0x76: {  	_ =	shalt  }
0x77: {  	_ =	shalt  }
0x78: {  	_ =	shalt  }
0x79: {  	_ =	shalt  }
0x7a: {  	_ =	shalt  }
0x7b: {  	_ =	shalt  }
0x7c: {  	_ =	shalt  }
0x7d: {  	_ =	shalt  }
0x7e: {  	_ =	shalt  }
0x7f: {  	_ =	shalt  }
0x80: {  	_ =	shalt  }
0x81: {  	_ =	shalt  }
0x82: {  	_ =	shalt  }
0x83: {  	_ =	shalt  }
0x84: {  	_ =	shalt  }
0x85: {  	_ =	shalt  }
0x86: {  	_ =	shalt  }
0x87: {  	_ =	shalt  }
.Lfunc_end0:
.L_simem_size_0:
called_computation_lowered:
.L_overlay_start_0:
0x88: {  	s2 =	sld [smem:$0x3FD9]  }
0x89: {  	s3 =	sld [smem:$0x3FFE];
	_ =	sdelay $0x1  }
0x8a: {  	s1 =	srdreg.scid  }
0x8b: {  	s0 =	sand.u32 $0x1, s1  }
0x8c: {  	s16 =	sshll.u32 s0, $0xA;
	s2 =	sadd.s32 s3, s2  }
0x8d: {  	s2 =	sadd.s32 s2, s16  }
0x8e: {  	[smem:$0x3FC2] =	sst s2  }
0x8f: {  	_ = 	snop  }
0x90: {  	(tm) =	ssettm $0x1  }
0x91: {  	s17 =	sld [smem:$0x3FFB];
	_ =	sdelay $0x3  }
0x92: {  	_ =	strace s17  }
0x93: {  	s2 =	sld [smem:$0x3FFC];
	_ =	sdelay $0x3  }
0x94: {  	_ =	strace s2  }
0x95: {  	s2 =	sld [smem:$0x3FFD];
	_ =	sdelay $0x3  }
0x96: {  	_ =	strace s2  }
0x97: {  	_ =	strace $0x8FFFFFFF  }
0x98: {  	s18 =	sld [smem:$0x3FDB];
	_ =	sdelay $0x1  }
0x99: {  	s19 =	simm.s32 $_scs_section_size  }
0x9a: {  	s4 =	simm.s32 $_size__tile_overlayer_lowered;
	s5 =	simm.s32 $_tile_overlayer_lowered  }
0x9b: {  	s22 =	simm.s32 $0x1BFF;
	s21 =	sshll.u32 s5, $0x1;
	s2 =	sadd.s32 s19, s18  }
0x9c: {  	s6 =	simm.s32 $0x0;
	s20 =	sshll.u32 s4, $0x1;
	s4 =	sadd.s32 s21, s2  }
0x9d: {  	[timem:s6], [sflag:s22] =	dma.local [hbm:s4], s20  }
0x9e: {  	_ =	swait.ge [sflag:s22], s20  }
0x9f: {  	s3 =	ssub.s32 $0x0, s20;
	[sflag:s22] =	ssyncset.done $0x0  }
0xa0: {  	[sflag:s22] =	ssyncadd.s32 s3;
	_ =	sdelay $0x1  }
0xa1: {  	s23 =	simm.s32 $0x1B8B  }
0xa2: {  	_ =	swait.ge [sflag:s23], $0x1  }
0xa3: {  	[sflag:s23] =	ssyncset.done $0x0  }
0xa4: {  	s25 =	simm.s32 $0x1B8E;
	s24 =	sld [smem:$0x3FFE];
	[sflag:s23] =	ssyncadd.s32 $0xFFFFFFFF  }
0xa5: {  	s26 =	simm.s32 $execute0_lowered;
	[smem:$0x3FD2] =	sst s25  }
0xa6: {  	s4 =	sshll.u32 s26, $0x1;
	_ =	strace $0x80000046;
	[dreg:$0x1] =	wrdreg $0xFFFFFFFF  }
0xa7: {  	s28 =	simm.s32 $_size_execute0_lowered;
	s2 =	sadd.s32 s2, s4;
	[dreg:$0x0] =	wrdreg $0x0  }
0xa8: {  	s4 =	sshll.u32 s28, $0x1;
	[dreg:$0x2] =	wrdreg s2  }
0xa9: {  	[dreg:$0x3] =	wrdreg s4  }
0xaa: {  	[dreg:$0x4] =	wrdreg $0xC0  }
0xab: {  	_ =	task [dreg:s6], $0x5FFFF  }
0xac: {  	[dreg:$0x1] =	wrdreg $0xFFFFFFFF  }
0xad: {  	[dreg:$0x0] =	wrdreg $0x60  }
0xae: {  	[dreg:$0x2] =	wrdreg s24  }
0xaf: {  	[dreg:$0x3] =	wrdreg $0x0  }
0xb0: {  	[dreg:$0x4] =	wrdreg $0x9  }
0xb1: {  	_ =	task.clear_ibuf [dreg:s6], $0x5FFFF;
	_ =	strace $0x90000046  }
0xb2: {  	s29 =	simm.s32 $0x9;
	_ =	strace $0x80000048  }
0xb3: {  	_ =	swait.ge [sflag:s29], $0x1  }
0xb4: {  	[sflag:s29] =	ssyncadd.s32 $0xFFFFFFFF  }
0xb5: {  	_ =	strace $0x90000048  }
0xb6: {  	_ =	sfence  }
0xb7: {  	s30 =	sld [smem:$0x0];
	_ =	sdelay $0x2  }
0xb8: {  	s31 =	sshll.u32 s1, $0xD;
	s1 =	sshrl.u32 s1, $0x2  }
0xb9: {  	s3 =	sand.u32 $0x4000, s31;
	s1 =	sadd.s32 s1, s30  }
0xba: {  	s0 =	sor.u32 s3, s0;
	s1 =	sshll.u32 s1, $0x11  }
0xbb: {  	s0 =	sor.u32 s1, s0  }
0xbc: {  	s0 =	sadd.s32 $0x8F2B, s0  }
0xbd: {  	[sflag:s0] =	ssyncadd.remote.s32 $0x1  }
0xbe: {  	_ =	sfence.sel $0xFFFF  }
0xbf: {  	[dreg:$0x0] =	wrdreg $0xFFFFFFFF;
	(pc) =	sbr.abs _section_cstart, $3  }
0xc0: {  	[dreg:$0x1] =	wrdreg $0xFFFFFFFF  }
0xc1: {  	_ =	task.clear_ibuf [dreg:s6], $0x2FFFF;
	_ =	strace $0x9FFFFFFF  }
0xc2: {  	(tm) =	ssettm $0x7FFFFFFF  }
0xc3: {  	_ =	shalt  }
tec
execute0_lowered:
.L_overlay_start_1:
0x0: {  	(tag) =	ssettag $0x1  }
0x1: {  	s1 =	srdreg.scid  }
0x2: {  	s0 =	stileid.u32;
	s6 =	rddreg [dreg:$0x0]  }
0x3: {  	s2 =	rddreg [dreg:$0x1];
	s4 =	smul.u32 $0x4E20, s0  }
0x4: {  	s3 =	simm.s32 $0x0;
	s13 =	simm.s32 $0x5000;
	s8 =	smul.u32 $0x14000, s0  }
0x5: {  	s14 =	simm.s32 $0x50;
	s5 =	sand.u32 $0x1, s1;
	s10 =	smul.u32 $0x50000, s0  }
0x6: {  	s15 =	simm.s32 $0x0;
	s1 =	rddreg [dreg:$0x2];
	s7 =	smul.u32 $0x2710, s5  }
0x7: {  	[smem:$0x7FF] =	sst s3;
	s31 =	sshll.u32 s0, $0x6;
	s26 =	smul.u32 $0x140000, s5  }
0x8: {  	_ =	strace $0x80000047;
	s28 =	ssub.s32 $0x2, s5;
	s5 =	sadd.s32 $0xE400, s6  }
0x9: {  	s11 =	sshrl.u32 s28, $0x1;
	s30 =	sshrl.u32 s10, $0x2;
	s10 =	simm.s32 $0x1  }
0xa: {  	s4 =	sadd.s32 s7, s4;
	s7 =	sadd.s32 s8, s26;
	s29 =	ssub.s32 s28, s11  }
0xb: {  	s12 =	sadd.s32 s30, s2;
	s11 =	sor.u32 $0x1C01, s31;
	s4 =	sshrl.u32 s4, $0x3  }
0xc: {  	s7 =	sshrl.u32 s7, $0x3;
	s12 =	sshrl.u32 s12, $0x3;
	s9 =	sadd.s32 s4, s6  }
0xd: {  	s4 =	sadd.s32 $0xBC00, s6;
	s6 =	sadd.s32 s7, s6;
	s7 =	smax.u32 s29, $0x1  }
0xe: {  	s6 =	sadd.s32 $0xEA00, s6;
	s8 =	sadd.s32 $0x1E00, s9;
	s9 =	simm.s32 $0x2800  }
.LBB2_1:
0xf: {  	[tilespmem:s9], [sflag:$0x1] =	stream.linear.gather [hbm4b:s5+s3], $0x2800, $0x38;
	[tilespmem:$0x5080] =	vst v63  }
0x10: {  	_ =	swait.ge [sflag:s10], $0x2800  }
0x11: {  	[sflag:s10] =	ssyncset.done $0x0  }
0x12: {  	[sflag:s10] =	ssyncadd.s32 $0xFFFFD800  }
0x13: {  	[spmem:s12], [sflag:s11] =	dma.local [hbm:s4], $0x2800  }
0x14: {  	_ =	swait.ge [sflag:s10], $0x2800  }
0x15: {  	[sflag:s10] =	ssyncset.done $0x0  }
0x16: {  	[sflag:s10] =	ssyncadd.s32 $0xFFFFD800  }
0x17: {  	s16 =	sadd.s32 $0x0, s8;
	[bflag:$0x0] =	sbarrier.arrive $0xFFFF  }
0x18: {  	[tilespmem:s13], [sflag:$0x1] =	stream.linear.gather [hbm4b:s16+s3], $0x50, $0x38;
	[tilespmem:$0x5080] =	vst v63  }
0x19: {  	_ =	swait.ge [sflag:s10], $0x50  }
0x1a: {  	[sflag:s10] =	ssyncset.done $0x0  }
0x1b: {  	[sflag:s10] =	ssyncadd.s32 $0xFFFFFFB0  }
0x1c: {  	[spmem:s2] =	stream.indirect.scatter.add.f32 [tilespmem:s9], [sflag:$0x1], $0x10, s13, s14, $0xb8;
	[tilespmem:$0x5080] =	vst v63  }
0x1d: {  	_ =	swait.ge [sflag:s10], $0x500  }
0x1e: {  	s17 =	simm.s32 $0x14;
	s16 =	simm.s32 $0xA;
	[sflag:s10] =	ssyncset.done $0x0  }
.LBB2_2:
0x1f: {  	s18 =	sadd.s32 s16, s8  }
0x20: {  	[sflag:s10] =	ssyncadd.s32 $0xFFFFFB00;
	s16 =	smov.u32 s17;
	s19 =	sadd.s32 $0xA, s17  }
0x21: {  	[tilespmem:s13], [sflag:$0x1] =	stream.linear.gather [hbm4b:s18+s3], $0x50, $0x38;
	[tilespmem:$0x5080] =	vst v63  }
0x22: {  	p0 =	sne.s32 s17, $0x4D8;
	_ =	swait.ge [sflag:s10], $0x50  }
.Ltmp0:
0x23: {  	[sflag:s10] =	ssyncset.done $0x0;
	(pc) =	sbr.rel @p0 .LBB2_2-.Ltmp0, $4  }
0x24: {  	[sflag:s10] =	ssyncadd.s32 $0xFFFFFFB0  }
0x25: {  	[spmem:s2] =	stream.indirect.scatter.add.f32 [tilespmem:s9], [sflag:$0x1], $0x10, s13, s14, $0xb8;
	[tilespmem:$0x5080] =	vst v63  }
0x26: {  	_ =	swait.ge [sflag:s10], $0x500  }
0x27: {  	s17 =	smov.u32 s19;
	[sflag:s10] =	ssyncset.done $0x0  }
0x28: {  	s16 =	sadd.s32 s16, s8;
	[sflag:s10] =	ssyncadd.s32 $0xFFFFFB00  }
0x29: {  	[tilespmem:s13], [sflag:$0x1] =	stream.linear.gather [hbm4b:s16+s3], $0x50, $0x38;
	[tilespmem:$0x5080] =	vst v63  }
0x2a: {  	_ =	swait.ge [sflag:s10], $0x50  }
0x2b: {  	[sflag:s10] =	ssyncset.done $0x0  }
0x2c: {  	[sflag:s10] =	ssyncadd.s32 $0xFFFFFFB0  }
0x2d: {  	[spmem:s2] =	stream.indirect.scatter.add.f32 [tilespmem:s9], [sflag:$0x1], $0x10, s13, s14, $0xb8;
	[tilespmem:$0x5080] =	vst v63  }
0x2e: {  	_ =	swait.ge [sflag:s10], $0x500  }
0x2f: {  	s15 =	sadd.s32 $0x1, s15;
	[sflag:s10] =	ssyncset.done $0x0  }
0x30: {  	p0 =	sne.s32 s15, s7;
	[sflag:s10] =	ssyncadd.s32 $0xFFFFFB00  }
.Ltmp1:
0x31: {  	[bflag:$0x0] =	sbarrier.arrive $0xFFFF;
	(pc) =	sbr.rel @p0 .LBB2_1-.Ltmp1, $4  }
0x32: {  	[hbm:s6], [sflag:s11] =	dma.local [spmem:s12], $0x2800  }
0x33: {  	_ =	swait.ge [sflag:s10], $0x2800  }
0x34: {  	[sflag:s10] =	ssyncset.done $0x0  }
0x35: {  	[sflag:s10] =	ssyncadd.s32 $0xFFFFD800  }
0x36: {  	_ =	sfence.sel $0x180000  }
0x37: {  	[bflag:$0x0] =	sbarrier.arrive $0xFFFF  }
0x38: {  	p0 =	sne.s32 s0, $0x0;
	_ =	strace $0x90000047  }
0x39: {  	s0 =	sadd.s32 @!p0 $0x100000, s1;
	[bflag:$0x2] =	sbarrier.arrive $0xFFFF  }
0x3a: {  	[sflag:s0] =	ssyncadd.tile.s32 @!p0 $0x1;
	_ =	shalt  }
.Lfunc_end2:
_tile_overlayer_lowered:
.L_overlay_start_2:
0x3b: {  	(tag) =	ssettag $0x2  }
0x3c: {  	s0 =	rddreg [dreg:$0x0];
	s2 =	stileid.u32  }
0x3d: {  	s1 =	rddreg [dreg:$0x1];
	p0 =	sne.s32 s2, $0x0  }
0x3e: {  	s3 =	rddreg [dreg:$0x2];
	[bflag:$0x3] =	sbarrier.arrive $0xFFFF;
	s2 =	simm.s32 @!p0 $0x1C01  }
0x3f: {  	[timem:s3], [sflag:s2] =	dma.local @!p0 [hbm:s0], s1  }
0x40: {  	s0 =	simm.s32 @!p0 $0x1  }
0x41: {  	_ =	swait.ge @!p0 [sflag:s0], s1  }
0x42: {  	s1 =	ssub.s32 @!p0 $0x0, s1;
	[sflag:s0] =	ssyncset.done @!p0 $0x0  }
0x43: {  	[sflag:s0] =	ssyncadd.s32 @!p0 s1  }
0x44: {  	[bflag:$0x3] =	sbarrier.arrive $0xFFFF  }
0x45: {  	_ =	shalt  }

</sc_bundles>
